<compile_context>
chip_gen: v7x
topology: tpu7x:2x2x1
jax: 0.10.2.dev20260603
libtpu: 0.0.44.dev20260713+nightly
codegen_flags: <defaults>
</compile_context>

<pallas_src>
import functools

import jax
import jax.numpy as jnp
from jax import lax
from jax.experimental import pallas as pl
from jax.experimental.pallas import tpu as pltpu
from jax.experimental.pallas import tpu_sc as plsc

NN = 10000
EE = 160000
DIN = 256
DH = 256
DOUT = 128

NC = 2
NS = 16
ROWS_PER_TILE = 640
NPAD = NS * ROWS_PER_TILE
BB = 80
ES1 = 10240
ES2 = 5120
NB1 = ES1 // BB
NB2 = ES2 // BB

_mesh = plsc.VectorSubcoreMesh(core_axis_name="c", subcore_axis_name="s")



DCD = 128
NDB = ES2 // BB


@functools.partial(
    pl.kernel,
    out_type=jax.ShapeDtypeStruct((NC * NPAD, DCD), jnp.float32),
    mesh=_mesh,
    scratch_types=[
        pltpu.VMEM((BB,), jnp.int32),
        pltpu.VMEM((BB, DCD), jnp.float32),
        pltpu.VMEM_SHARED((NPAD, DCD), jnp.float32),
    ],
)
def _sc_degree(dst_hbm, ones_hbm, zrows_hbm, out_hbm, idx_d, ones_v, acc_sh):
    c = lax.axis_index("c")
    s = lax.axis_index("s")
    wid = c * NS + s

    row0 = pl.multiple_of(s * ROWS_PER_TILE, 8)
    pltpu.sync_copy(zrows_hbm, acc_sh.at[pl.ds(row0, ROWS_PER_TILE)])
    pltpu.sync_copy(ones_hbm, ones_v)
    plsc.subcore_barrier()

    ebase = wid * ES2

    def body(i, _):
        off = pl.multiple_of(ebase + i * BB, 8)
        pltpu.sync_copy(dst_hbm.at[pl.ds(off, BB)], idx_d)
        pltpu.sync_copy(ones_v, acc_sh.at[idx_d], add=True)
        return 0
    lax.fori_loop(0, NDB, body, 0)

    plsc.subcore_barrier()
    out0 = pl.multiple_of(c * NPAD + s * ROWS_PER_TILE, 8)
    pltpu.sync_copy(acc_sh.at[pl.ds(row0, ROWS_PER_TILE)],
                    out_hbm.at[pl.ds(out0, ROWS_PER_TILE)])



def _make_sc_agg(dc, esub, nb):

    @functools.partial(
        pl.kernel,
        out_type=jax.ShapeDtypeStruct((NC * NPAD, dc), jnp.float32),
        mesh=_mesh,
        scratch_types=[
            pltpu.VMEM((BB,), jnp.int32),
            pltpu.VMEM((BB,), jnp.int32),
            pltpu.VMEM((BB,), jnp.int32),
            pltpu.VMEM((BB,), jnp.int32),
            pltpu.VMEM((BB, dc), jnp.float32),
            pltpu.VMEM((BB, dc), jnp.float32),
            pltpu.VMEM_SHARED((NPAD, dc), jnp.float32),
            pltpu.SemaphoreType.DMA,
            pltpu.SemaphoreType.DMA,
        ],
    )
    def agg(table_hbm, src_hbm, dst_hbm, zrows_hbm, out_hbm,
            idx_s0, idx_s1, idx_d0, idx_d1, rows0, rows1, acc_sh,
            sg0, sg1):
        c = lax.axis_index("c")
        s = lax.axis_index("s")

        row0 = pl.multiple_of(s * ROWS_PER_TILE, 8)
        pltpu.sync_copy(zrows_hbm, acc_sh.at[pl.ds(row0, ROWS_PER_TILE)])
        plsc.subcore_barrier()

        ebase = (c * NS + s) * esub
        idx_s = (idx_s0, idx_s1)
        idx_d = (idx_d0, idx_d1)
        rows = (rows0, rows1)
        sg = (sg0, sg1)

        def load(i, b):
            off = pl.multiple_of(ebase + i * BB, 8)
            pltpu.sync_copy(src_hbm.at[pl.ds(off, BB)], idx_s[b])
            pltpu.sync_copy(dst_hbm.at[pl.ds(off, BB)], idx_d[b])

        def start_g(b):
            pltpu.async_copy(table_hbm.at[idx_s[b]], rows[b], sg[b])

        def wait_g(b):
            pltpu.make_async_copy(table_hbm.at[idx_s[b]], rows[b],
                                  sg[b]).wait()

        def scat(b):
            pltpu.sync_copy(rows[b], acc_sh.at[idx_d[b]], add=True)

        load(0, 0)
        start_g(0)
        load(1, 1)
        start_g(1)

        def body(j, _):
            i0 = j * 2
            wait_g(0)
            scat(0)
            load(i0 + 2, 0)
            start_g(0)
            wait_g(1)
            scat(1)
            load(i0 + 3, 1)
            start_g(1)
            return 0
        lax.fori_loop(0, nb // 2 - 1, body, 0)

        wait_g(0)
        scat(0)
        wait_g(1)
        scat(1)

        plsc.subcore_barrier()
        out0 = pl.multiple_of(c * NPAD + s * ROWS_PER_TILE, 8)
        pltpu.sync_copy(acc_sh.at[pl.ds(row0, ROWS_PER_TILE)],
                        out_hbm.at[pl.ds(out0, ROWS_PER_TILE)])

    return agg


_sc_agg_l1 = _make_sc_agg(DH // 2, ES1, NB1)
_sc_agg_l2 = _make_sc_agg(DOUT, ES2, NB2)



def _tc_dinv_body(part_ref, out_ref):
    deg = jnp.sum(part_ref[...], axis=0)
    deg = deg[:NN, 0:1] + 1.0
    out_ref[...] = lax.rsqrt(deg)


def _tc_dinv(part):
    return pl.pallas_call(
        _tc_dinv_body,
        out_shape=jax.ShapeDtypeStruct((NN, 1), jnp.float32),
    )(part)



_NB = 10
_NBR = NN // _NB


def _tc_mm1_body(x_ref, w_ref, o_ref):
    o_ref[...] = jnp.dot(x_ref[...], w_ref[...],
                         preferred_element_type=jnp.float32)[None]


def _tc_mm1(x, W1):
    return pl.pallas_call(
        _tc_mm1_body,
        grid=(NC, _NB),
        in_specs=[
            pl.BlockSpec((_NBR, DIN), lambda c, i: (i, 0)),
            pl.BlockSpec((DIN, DH // 2), lambda c, i: (0, c)),
        ],
        out_specs=pl.BlockSpec((1, _NBR, DH // 2), lambda c, i: (c, i, 0)),
        out_shape=jax.ShapeDtypeStruct((NC, NN, DH // 2), jnp.float32),
    )(x, W1)



def _tc_scale_body(h_ref, d_ref, o_ref):
    o_ref[...] = h_ref[...] * d_ref[...][None]


def _tc_scale(h, dinv, dc):
    return pl.pallas_call(
        _tc_scale_body,
        grid=(NC, _NB),
        in_specs=[
            pl.BlockSpec((1, _NBR, dc), lambda c, i: (c, i, 0)),
            pl.BlockSpec((_NBR, 1), lambda c, i: (i, 0)),
        ],
        out_specs=pl.BlockSpec((1, _NBR, dc), lambda c, i: (c, i, 0)),
        out_shape=jax.ShapeDtypeStruct((NC, NN, dc), jnp.float32),
    )(h, dinv)



def _tc_z_body(s_ref, hs_ref, d_ref, b_ref, z_ref, ps_ref, pq_ref):
    i = pl.program_id(1)
    z = d_ref[...] * (s_ref[0] + hs_ref[0]) + b_ref[...][None, :]
    z_ref[...] = z[None]
    zpad = jnp.zeros((7, DH // 2), jnp.float32)
    part = jnp.concatenate([jnp.sum(z, axis=0)[None], zpad], axis=0)[None]
    partq = jnp.concatenate([jnp.sum(z * z, axis=0)[None], zpad], axis=0)[None]

    @pl.when(i == 0)
    def _():
        ps_ref[...] = part
        pq_ref[...] = partq

    @pl.when(i != 0)
    def _():
        ps_ref[...] += part
        pq_ref[...] += partq


def _tc_z_stats(S1, hs, dinv, b1):
    return pl.pallas_call(
        _tc_z_body,
        grid=(NC, _NB),
        in_specs=[
            pl.BlockSpec((1, _NBR, DH // 2), lambda c, i: (c, i, 0)),
            pl.BlockSpec((1, _NBR, DH // 2), lambda c, i: (c, i, 0)),
            pl.BlockSpec((_NBR, 1), lambda c, i: (i, 0)),
            pl.BlockSpec((DH // 2,), lambda c, i: (c,)),
        ],
        out_specs=[
            pl.BlockSpec((1, _NBR, DH // 2), lambda c, i: (c, i, 0)),
            pl.BlockSpec((1, 8, DH // 2), lambda c, i: (c, 0, 0)),
            pl.BlockSpec((1, 8, DH // 2), lambda c, i: (c, 0, 0)),
        ],
        out_shape=[
            jax.ShapeDtypeStruct((NC, NN, DH // 2), jnp.float32),
            jax.ShapeDtypeStruct((NC, 8, DH // 2), jnp.float32),
            jax.ShapeDtypeStruct((NC, 8, DH // 2), jnp.float32),
        ],
    )(S1, hs, dinv, b1)



def _tc_bn_mm2_body(z_ref, ps_ref, pq_ref, g_ref, be_ref, w_ref, d_ref, o_ref):
    acc = None
    for half in range(2):
        mean = jnp.sum(ps_ref[half], axis=0) / NN
        var = jnp.sum(pq_ref[half], axis=0) / NN - mean * mean
        scale = lax.rsqrt(var + 1e-5) * g_ref[pl.ds(half * (DH // 2), DH // 2)]
        shift = be_ref[pl.ds(half * (DH // 2), DH // 2)] - mean * scale
        hbn = jnp.maximum(z_ref[half] * scale[None, :] + shift[None, :], 0.0)
        part = jnp.dot(hbn, w_ref[pl.ds(half * (DH // 2), DH // 2), :],
                       preferred_element_type=jnp.float32)
        acc = part if acc is None else acc + part
    o_ref[...] = acc * d_ref[...]


def _tc_bn_mm2(z, ps, pq, gamma, beta, W2, dinv):
    return pl.pallas_call(
        _tc_bn_mm2_body,
        grid=(_NB,),
        in_specs=[
            pl.BlockSpec((NC, _NBR, DH // 2), lambda i: (0, i, 0)),
            pl.BlockSpec((NC, 8, DH // 2), lambda i: (0, 0, 0)),
            pl.BlockSpec((NC, 8, DH // 2), lambda i: (0, 0, 0)),
            pl.BlockSpec((DH,), lambda i: (0,)),
            pl.BlockSpec((DH,), lambda i: (0,)),
            pl.BlockSpec((DH, DOUT), lambda i: (0, 0)),
            pl.BlockSpec((_NBR, 1), lambda i: (i, 0)),
        ],
        out_specs=pl.BlockSpec((_NBR, DOUT), lambda i: (i, 0)),
        out_shape=jax.ShapeDtypeStruct((NN, DOUT), jnp.float32),
    )(z, ps, pq, gamma, beta, W2, dinv)



def _tc_final_body(s_ref, hs_ref, d_ref, b_ref, o_ref):
    o = (d_ref[...] * (s_ref[0] + s_ref[1] + hs_ref[...])
         + b_ref[...][None, :])
    m = jnp.max(o, axis=1, keepdims=True)
    e = jnp.exp(o - m)
    ssum = jnp.sum(e, axis=1, keepdims=True)
    o_ref[...] = o - m - jnp.log(ssum)


def _tc_final(S2, hs2, dinv, b2):
    return pl.pallas_call(
        _tc_final_body,
        grid=(_NB,),
        in_specs=[
            pl.BlockSpec((NC, _NBR, DOUT), lambda i: (0, i, 0)),
            pl.BlockSpec((_NBR, DOUT), lambda i: (i, 0)),
            pl.BlockSpec((_NBR, 1), lambda i: (i, 0)),
            pl.BlockSpec((DOUT,), lambda i: (0,)),
        ],
        out_specs=pl.BlockSpec((_NBR, DOUT), lambda i: (i, 0)),
        out_shape=jax.ShapeDtypeStruct((NN, DOUT), jnp.float32),
    )(S2, hs2, dinv, b2)



def kernel(x, edge_index, W1, b1, gamma, beta, W2, b2):
    src = edge_index[0].astype(jnp.int32)
    dst = edge_index[1].astype(jnp.int32)

    src1 = jnp.pad(src.reshape(NS, EE // NS),
                   ((0, 0), (0, ES1 - EE // NS)))
    dst1 = jnp.pad(dst.reshape(NS, EE // NS),
                   ((0, 0), (0, ES1 - EE // NS)), constant_values=NN)
    srcA = jnp.stack([src1, src1 + NN]).reshape(-1)
    dstA = jnp.stack([dst1, dst1]).reshape(-1)

    srcB = jnp.pad(src.reshape(NC * NS, EE // (NC * NS)),
                   ((0, 0), (0, ES2 - EE // (NC * NS)))).reshape(-1)
    dstB = jnp.pad(dst.reshape(NC * NS, EE // (NC * NS)),
                   ((0, 0), (0, ES2 - EE // (NC * NS))),
                   constant_values=NN).reshape(-1)

    zrows128 = jnp.zeros((ROWS_PER_TILE, DH // 2), jnp.float32)
    ones128 = jnp.ones((BB, DCD), jnp.float32)

    deg_part = _sc_degree(dstB, ones128, zrows128)
    dinv = _tc_dinv(deg_part.reshape(NC, NPAD, DCD))

    h = _tc_mm1(x, W1)
    hs = _tc_scale(h, dinv, DH // 2)

    S1 = _sc_agg_l1(hs.reshape(NC * NN, DH // 2), srcA, dstA, zrows128)
    S1 = S1.reshape(NC, NPAD, DH // 2)

    z, ps, pq = _tc_z_stats(S1, hs, dinv, b1)
    hs2 = _tc_bn_mm2(z, ps, pq, gamma, beta, W2, dinv)

    S2 = _sc_agg_l2(hs2, srcB, dstB, zrows128)
    S2 = S2.reshape(NC, NPAD, DOUT)

    return _tc_final(S2, hs2, dinv, b2)

# --- scband reference (transcript-rebuilt; emitter-appended) ---
"""Pipeline reference for scband-primary-key-gnn-90417651516359 (READ-ONLY COPY).

The authoritative reference and input builder live on the scoring server;
editing this copy changes nothing except your own understanding.
"""

import jax, jax.numpy as jnp
import numpy as np

N = 10000
E = 160000
D_IN = 256
D_H = 256
D_OUT = 128


def setup_inputs(seed: int = 0) -> dict:
    key = jax.random.key(seed)
    ks = jax.random.split(key, 8)
    x = jax.random.normal(ks[0], (N, D_IN), dtype=jnp.float32)
    edge_index = jax.random.randint(ks[1], (2, E), 0, N, dtype=jnp.int32)
    W1 = jax.random.normal(ks[2], (D_IN, D_H), dtype=jnp.float32) * (1.0 / np.sqrt(D_IN))
    b1 = jnp.zeros((D_H,), dtype=jnp.float32)
    gamma = jnp.ones((D_H,), dtype=jnp.float32)
    beta = jnp.zeros((D_H,), dtype=jnp.float32)
    W2 = jax.random.normal(ks[3], (D_H, D_OUT), dtype=jnp.float32) * (1.0 / np.sqrt(D_H))
    b2 = jnp.zeros((D_OUT,), dtype=jnp.float32)
    return {"x": x, "edge_index": edge_index, "W1": W1, "b1": b1,
            "gamma": gamma, "beta": beta, "W2": W2, "b2": b2}


def _gcn_conv(x, edge_index, W, b):
    # GCNConv: D^{-1/2} (A + I) D^{-1/2} X W + b
    h = x @ W
    src = edge_index[0]
    dst = edge_index[1]
    loop = jnp.arange(N, dtype=src.dtype)
    src = jnp.concatenate([src, loop])
    dst = jnp.concatenate([dst, loop])
    deg = jnp.zeros((N,), dtype=h.dtype).at[dst].add(1.0)
    dinv = jax.lax.rsqrt(jnp.maximum(deg, 1.0))
    norm = dinv[src] * dinv[dst]
    msg = h[src] * norm[:, None]
    out = jnp.zeros((N, h.shape[1]), dtype=h.dtype).at[dst].add(msg)
    return out + b


def reference(x, edge_index, W1, b1, gamma, beta, W2, b2):
    h = _gcn_conv(x, edge_index, W1, b1)
    # BatchNorm1d (training mode: batch statistics, eps=1e-5)
    mean = jnp.mean(h, axis=0)
    var = jnp.var(h, axis=0)
    h = (h - mean) * jax.lax.rsqrt(var + 1e-5) * gamma + beta
    h = jax.nn.relu(h)
    o = _gcn_conv(h, edge_index, W2, b2)
    return jax.nn.log_softmax(o, axis=1)

if __name__ == "__main__":
    import jax
    _d = setup_inputs()
    print(jax.jit(kernel)(*tuple(_d.values())))

</pallas_src>

<mosaic_0001>
#map = affine_map<(d0, d1) -> (0)>
#map1 = affine_map<(d0, d1) -> (0, 0)>
module attributes {stable_mosaic.version = 14 : i64} {
  func.func @_sc_degree(%arg0: i32, %arg1: i32, %arg2: memref<163840xi32, #tpu.memory_space<hbm>>, %arg3: memref<80x128xf32, #tpu.memory_space<hbm>>, %arg4: memref<640x128xf32, #tpu.memory_space<hbm>>, %arg5: memref<20480x128xf32, #tpu.memory_space<hbm>>, %arg6: memref<80xi32, #tpu.memory_space<vmem>>, %arg7: memref<80x128xf32, #tpu.memory_space<vmem>>, %arg8: memref<10240x128xf32, #tpu.memory_space<vmem_shared>>) attributes {dimension_semantics = [#tpu.dimension_semantics<core_parallel>, #tpu.dimension_semantics<subcore_parallel>], iteration_bounds = array<i64: 2, 16>, scalar_prefetch = 0 : i64, scratch_operands = 3 : i64, tpu.core_type = #tpu.core_type<sc_vector_subcore>, window_params = [{transform_indices = #map}, {transform_indices = #map1}, {transform_indices = #map1}, {transform_indices = #map1}]} {
    %mul3A = arith.constant 16 : i32
    %mul3A_0 = arith.muli %arg0, %mul3A : i32
    %add3A = arith.addi %mul3A_0, %arg1 : i32
    %mul3A_1 = arith.constant 640 : i32
    %mul3A_2 = arith.muli %arg1, %mul3A_1 : i32
    %multiple_of3A = tpu.assume_multiple %mul3A_2, 8 : i32
    "tpu.region"() ({
      %run_scoped3A = tpu.sem_alloc : memref<!tpu.dma_semaphore, #tpu.memory_space<semaphore_mem>>
      %dma_start3A = arith.constant 0 : i32
      %dma_start3A_18 = tpu.memref_slice %arg8[%multiple_of3A, %dma_start3A] : memref<10240x128xf32, #tpu.memory_space<vmem_shared>> -> memref<640x128xf32, #tpu.memory_space<vmem_shared>>
      tpu.enqueue_dma source(%arg4 : memref<640x128xf32, #tpu.memory_space<hbm>>) target(%dma_start3A_18 : memref<640x128xf32, #tpu.memory_space<vmem_shared>>) target_semaphore(%run_scoped3A : memref<!tpu.dma_semaphore, #tpu.memory_space<semaphore_mem>>)
      %dma_wait3A = arith.constant 0 : i32
      %dma_wait3A_19 = tpu.memref_slice %arg8[%multiple_of3A, %dma_wait3A] : memref<10240x128xf32, #tpu.memory_space<vmem_shared>> -> memref<640x128xf32, #tpu.memory_space<vmem_shared>>
      tpu.wait_dma2 semaphore(%run_scoped3A : memref<!tpu.dma_semaphore, #tpu.memory_space<semaphore_mem>>) src(%arg4 : memref<640x128xf32, #tpu.memory_space<hbm>>) dst(%dma_wait3A_19 : memref<640x128xf32, #tpu.memory_space<vmem_shared>>)
      tpu.yield
    }) : () -> ()
    "tpu.region"() ({
      %run_scoped3A = tpu.sem_alloc : memref<!tpu.dma_semaphore, #tpu.memory_space<semaphore_mem>>
      tpu.enqueue_dma source(%arg3 : memref<80x128xf32, #tpu.memory_space<hbm>>) target(%arg7 : memref<80x128xf32, #tpu.memory_space<vmem>>) target_semaphore(%run_scoped3A : memref<!tpu.dma_semaphore, #tpu.memory_space<semaphore_mem>>)
      tpu.wait_dma2 semaphore(%run_scoped3A : memref<!tpu.dma_semaphore, #tpu.memory_space<semaphore_mem>>) src(%arg3 : memref<80x128xf32, #tpu.memory_space<hbm>>) dst(%arg7 : memref<80x128xf32, #tpu.memory_space<vmem>>)
      tpu.yield
    }) : () -> ()
    %barrier3A = arith.constant 0 : index
    tpu.barrier barrier_id(%barrier3A)
    %mul3A_3 = arith.constant 5120 : i32
    %mul3A_4 = arith.muli %add3A, %mul3A_3 : i32
    %scan3A = arith.constant 0 : i32
    %scan3A_5 = arith.constant 0 : i32
    %scan3A_6 = arith.constant 64 : i32
    %scan3A_7 = arith.addi %scan3A_5, %scan3A_6 : i32
    %scan3A_8 = arith.constant 1 : i32
    %scan3A_9 = scf.for %scan3A_18 = %scan3A_5 to %scan3A_7 step %scan3A_8 iter_args(%scan3A_19 = %scan3A) -> (i32)  : i32 {
      %mul3A_20 = arith.constant 80 : i32
      %mul3A_21 = arith.muli %scan3A_18, %mul3A_20 : i32
      %add3A_22 = arith.addi %mul3A_4, %mul3A_21 : i32
      %multiple_of3A_23 = tpu.assume_multiple %add3A_22, 8 : i32
      "tpu.region"() ({
        %run_scoped3A = tpu.sem_alloc : memref<!tpu.dma_semaphore, #tpu.memory_space<semaphore_mem>>
        %dma_start3A = tpu.memref_slice %arg2[%multiple_of3A_23] : memref<163840xi32, #tpu.memory_space<hbm>> -> memref<80xi32, #tpu.memory_space<hbm>>
        %dma_start3A_25 = tpu.memref_slice %arg2[%multiple_of3A_23] : memref<163840xi32, #tpu.memory_space<hbm>> -> memref<80xi32, #tpu.memory_space<hbm>>
        tpu.enqueue_dma source(%dma_start3A_25 : memref<80xi32, #tpu.memory_space<hbm>>) target(%arg6 : memref<80xi32, #tpu.memory_space<vmem>>) target_semaphore(%run_scoped3A : memref<!tpu.dma_semaphore, #tpu.memory_space<semaphore_mem>>)
        %dma_wait3A = tpu.memref_slice %arg2[%multiple_of3A_23] : memref<163840xi32, #tpu.memory_space<hbm>> -> memref<80xi32, #tpu.memory_space<hbm>>
        %dma_wait3A_26 = tpu.memref_slice %arg2[%multiple_of3A_23] : memref<163840xi32, #tpu.memory_space<hbm>> -> memref<80xi32, #tpu.memory_space<hbm>>
        tpu.wait_dma2 semaphore(%run_scoped3A : memref<!tpu.dma_semaphore, #tpu.memory_space<semaphore_mem>>) src(%dma_wait3A_26 : memref<80xi32, #tpu.memory_space<hbm>>) dst(%arg6 : memref<80xi32, #tpu.memory_space<vmem>>)
        tpu.yield
      }) : () -> ()
      "tpu.region"() ({
        %run_scoped3A = tpu.sem_alloc : memref<!tpu.dma_semaphore, #tpu.memory_space<semaphore_mem>>
        %dma_start3A = arith.constant 0 : i32
        %dma_start3A_25 = arith.constant 0 : i32
        %dma_start3A_26 = tpu.memref_slice %arg8[%dma_start3A, %dma_start3A_25] : memref<10240x128xf32, #tpu.memory_space<vmem_shared>> -> memref<10240x128xf32, #tpu.memory_space<vmem_shared>>
        tpu.enqueue_indirect_dma source(%arg7 : memref<80x128xf32, #tpu.memory_space<vmem>>) target(%dma_start3A_26 : memref<10240x128xf32, #tpu.memory_space<vmem_shared>>) offsets(%arg6 : memref<80xi32, #tpu.memory_space<vmem>>) semaphore(%run_scoped3A : memref<!tpu.dma_semaphore, #tpu.memory_space<semaphore_mem>>) {add = true}
        %dma_wait3A = arith.constant 0 : i32
        %dma_wait3A_27 = arith.constant 0 : i32
        %dma_wait3A_28 = tpu.memref_slice %arg8[%dma_wait3A, %dma_wait3A_27] : memref<10240x128xf32, #tpu.memory_space<vmem_shared>> -> memref<10240x128xf32, #tpu.memory_space<vmem_shared>>
        tpu.wait_indirect_dma semaphore(%run_scoped3A : memref<!tpu.dma_semaphore, #tpu.memory_space<semaphore_mem>>) src(%arg7 : memref<80x128xf32, #tpu.memory_space<vmem>>) dst(%dma_wait3A_28 : memref<10240x128xf32, #tpu.memory_space<vmem_shared>>)
        tpu.yield
      }) : () -> ()
      %scan3A_24 = arith.constant 0 : i32
      scf.yield %scan3A_24 : i32
    }
    %scan3A_10 = arith.constant 64 : i32
    %barrier3A_11 = arith.constant 0 : index
    tpu.barrier barrier_id(%barrier3A_11)
    %mul3A_12 = arith.constant 10240 : i32
    %mul3A_13 = arith.muli %arg0, %mul3A_12 : i32
    %mul3A_14 = arith.constant 640 : i32
    %mul3A_15 = arith.muli %arg1, %mul3A_14 : i32
    %add3A_16 = arith.addi %mul3A_13, %mul3A_15 : i32
    %multiple_of3A_17 = tpu.assume_multiple %add3A_16, 8 : i32
    "tpu.region"() ({
      %run_scoped3A = tpu.sem_alloc : memref<!tpu.dma_semaphore, #tpu.memory_space<semaphore_mem>>
      %dma_start3A = arith.constant 0 : i32
      %dma_start3A_18 = tpu.memref_slice %arg5[%multiple_of3A_17, %dma_start3A] : memref<20480x128xf32, #tpu.memory_space<hbm>> -> memref<640x128xf32, #tpu.memory_space<hbm>>
      %dma_start3A_19 = arith.constant 0 : i32
      %dma_start3A_20 = tpu.memref_slice %arg8[%multiple_of3A, %dma_start3A_19] : memref<10240x128xf32, #tpu.memory_space<vmem_shared>> -> memref<640x128xf32, #tpu.memory_space<vmem_shared>>
      tpu.enqueue_dma source(%dma_start3A_20 : memref<640x128xf32, #tpu.memory_space<vmem_shared>>) target(%dma_start3A_18 : memref<640x128xf32, #tpu.memory_space<hbm>>) target_semaphore(%run_scoped3A : memref<!tpu.dma_semaphore, #tpu.memory_space<semaphore_mem>>)
      %dma_wait3A = arith.constant 0 : i32
      %dma_wait3A_21 = tpu.memref_slice %arg5[%multiple_of3A_17, %dma_wait3A] : memref<20480x128xf32, #tpu.memory_space<hbm>> -> memref<640x128xf32, #tpu.memory_space<hbm>>
      %dma_wait3A_22 = arith.constant 0 : i32
      %dma_wait3A_23 = tpu.memref_slice %arg8[%multiple_of3A, %dma_wait3A_22] : memref<10240x128xf32, #tpu.memory_space<vmem_shared>> -> memref<640x128xf32, #tpu.memory_space<vmem_shared>>
      tpu.wait_dma2 semaphore(%run_scoped3A : memref<!tpu.dma_semaphore, #tpu.memory_space<semaphore_mem>>) src(%dma_wait3A_23 : memref<640x128xf32, #tpu.memory_space<vmem_shared>>) dst(%dma_wait3A_21 : memref<640x128xf32, #tpu.memory_space<hbm>>)
      tpu.yield
    }) : () -> ()
    return
  }
}

#map = affine_map<(d0, d1) -> (0, 0)>
#map1 = affine_map<(d0, d1) -> (0)>
module attributes {stable_mosaic.version = 14 : i64} {
  func.func @agg(%arg0: i32, %arg1: i32, %arg2: memref<10000x128xf32, #tpu.memory_space<hbm>>, %arg3: memref<163840xi32, #tpu.memory_space<hbm>>, %arg4: memref<163840xi32, #tpu.memory_space<hbm>>, %arg5: memref<640x128xf32, #tpu.memory_space<hbm>>, %arg6: memref<20480x128xf32, #tpu.memory_space<hbm>>, %arg7: memref<80xi32, #tpu.memory_space<vmem>>, %arg8: memref<80xi32, #tpu.memory_space<vmem>>, %arg9: memref<80xi32, #tpu.memory_space<vmem>>, %arg10: memref<80xi32, #tpu.memory_space<vmem>>, %arg11: memref<80x128xf32, #tpu.memory_space<vmem>>, %arg12: memref<80x128xf32, #tpu.memory_space<vmem>>, %arg13: memref<10240x128xf32, #tpu.memory_space<vmem_shared>>, %arg14: memref<!tpu.dma_semaphore, #tpu.memory_space<semaphore_mem>>, %arg15: memref<!tpu.dma_semaphore, #tpu.memory_space<semaphore_mem>>) attributes {dimension_semantics = [#tpu.dimension_semantics<core_parallel>, #tpu.dimension_semantics<subcore_parallel>], iteration_bounds = array<i64: 2, 16>, scalar_prefetch = 0 : i64, scratch_operands = 9 : i64, tpu.core_type = #tpu.core_type<sc_vector_subcore>, window_params = [{transform_indices = #map}, {transform_indices = #map1}, {transform_indices = #map1}, {transform_indices = #map}, {transform_indices = #map}]} {
    %mul3A = arith.constant 640 : i32
    %mul3A_0 = arith.muli %arg1, %mul3A : i32
    %multiple_of3A = tpu.assume_multiple %mul3A_0, 8 : i32
    "tpu.region"() ({
      %run_scoped3A = tpu.sem_alloc : memref<!tpu.dma_semaphore, #tpu.memory_space<semaphore_mem>>
      %dma_start3A_34 = arith.constant 0 : i32
      %dma_start3A_35 = tpu.memref_slice %arg13[%multiple_of3A, %dma_start3A_34] : memref<10240x128xf32, #tpu.memory_space<vmem_shared>> -> memref<640x128xf32, #tpu.memory_space<vmem_shared>>
      tpu.enqueue_dma source(%arg5 : memref<640x128xf32, #tpu.memory_space<hbm>>) target(%dma_start3A_35 : memref<640x128xf32, #tpu.memory_space<vmem_shared>>) target_semaphore(%run_scoped3A : memref<!tpu.dma_semaphore, #tpu.memory_space<semaphore_mem>>)
      %dma_wait3A_36 = arith.constant 0 : i32
      %dma_wait3A_37 = tpu.memref_slice %arg13[%multiple_of3A, %dma_wait3A_36] : memref<10240x128xf32, #tpu.memory_space<vmem_shared>> -> memref<640x128xf32, #tpu.memory_space<vmem_shared>>
      tpu.wait_dma2 semaphore(%run_scoped3A : memref<!tpu.dma_semaphore, #tpu.memory_space<semaphore_mem>>) src(%arg5 : memref<640x128xf32, #tpu.memory_space<hbm>>) dst(%dma_wait3A_37 : memref<640x128xf32, #tpu.memory_space<vmem_shared>>)
      tpu.yield
    }) : () -> ()
    %barrier3A = arith.constant 0 : index
    tpu.barrier barrier_id(%barrier3A)
    %mul3A_1 = arith.constant 16 : i32
    %mul3A_2 = arith.muli %arg0, %mul3A_1 : i32
    %add3A = arith.addi %mul3A_2, %arg1 : i32
    %mul3A_3 = arith.constant 5120 : i32
    %mul3A_4 = arith.muli %add3A, %mul3A_3 : i32
    %add3A_5 = arith.constant 0 : i32
    %add3A_6 = arith.addi %mul3A_4, %add3A_5 : i32
    %multiple_of3A_7 = tpu.assume_multiple %add3A_6, 8 : i32
    "tpu.region"() ({
      %run_scoped3A = tpu.sem_alloc : memref<!tpu.dma_semaphore, #tpu.memory_space<semaphore_mem>>
      %dma_start3A_34 = tpu.memref_slice %arg3[%multiple_of3A_7] : memref<163840xi32, #tpu.memory_space<hbm>> -> memref<80xi32, #tpu.memory_space<hbm>>
      %dma_start3A_35 = tpu.memref_slice %arg3[%multiple_of3A_7] : memref<163840xi32, #tpu.memory_space<hbm>> -> memref<80xi32, #tpu.memory_space<hbm>>
      tpu.enqueue_dma source(%dma_start3A_35 : memref<80xi32, #tpu.memory_space<hbm>>) target(%arg7 : memref<80xi32, #tpu.memory_space<vmem>>) target_semaphore(%run_scoped3A : memref<!tpu.dma_semaphore, #tpu.memory_space<semaphore_mem>>)
      %dma_wait3A_36 = tpu.memref_slice %arg3[%multiple_of3A_7] : memref<163840xi32, #tpu.memory_space<hbm>> -> memref<80xi32, #tpu.memory_space<hbm>>
      %dma_wait3A_37 = tpu.memref_slice %arg3[%multiple_of3A_7] : memref<163840xi32, #tpu.memory_space<hbm>> -> memref<80xi32, #tpu.memory_space<hbm>>
      tpu.wait_dma2 semaphore(%run_scoped3A : memref<!tpu.dma_semaphore, #tpu.memory_space<semaphore_mem>>) src(%dma_wait3A_37 : memref<80xi32, #tpu.memory_space<hbm>>) dst(%arg7 : memref<80xi32, #tpu.memory_space<vmem>>)
      tpu.yield
    }) : () -> ()
    "tpu.region"() ({
      %run_scoped3A = tpu.sem_alloc : memref<!tpu.dma_semaphore, #tpu.memory_space<semaphore_mem>>
      %dma_start3A_34 = tpu.memref_slice %arg4[%multiple_of3A_7] : memref<163840xi32, #tpu.memory_space<hbm>> -> memref<80xi32, #tpu.memory_space<hbm>>
      %dma_start3A_35 = tpu.memref_slice %arg4[%multiple_of3A_7] : memref<163840xi32, #tpu.memory_space<hbm>> -> memref<80xi32, #tpu.memory_space<hbm>>
      tpu.enqueue_dma source(%dma_start3A_35 : memref<80xi32, #tpu.memory_space<hbm>>) target(%arg9 : memref<80xi32, #tpu.memory_space<vmem>>) target_semaphore(%run_scoped3A : memref<!tpu.dma_semaphore, #tpu.memory_space<semaphore_mem>>)
      %dma_wait3A_36 = tpu.memref_slice %arg4[%multiple_of3A_7] : memref<163840xi32, #tpu.memory_space<hbm>> -> memref<80xi32, #tpu.memory_space<hbm>>
      %dma_wait3A_37 = tpu.memref_slice %arg4[%multiple_of3A_7] : memref<163840xi32, #tpu.memory_space<hbm>> -> memref<80xi32, #tpu.memory_space<hbm>>
      tpu.wait_dma2 semaphore(%run_scoped3A : memref<!tpu.dma_semaphore, #tpu.memory_space<semaphore_mem>>) src(%dma_wait3A_37 : memref<80xi32, #tpu.memory_space<hbm>>) dst(%arg9 : memref<80xi32, #tpu.memory_space<vmem>>)
      tpu.yield
    }) : () -> ()
    %dma_start3A = arith.constant 0 : i32
    %dma_start3A_8 = arith.constant 0 : i32
    %dma_start3A_9 = tpu.memref_slice %arg2[%dma_start3A, %dma_start3A_8] : memref<10000x128xf32, #tpu.memory_space<hbm>> -> memref<10000x128xf32, #tpu.memory_space<hbm>>
    tpu.enqueue_indirect_dma source(%dma_start3A_9 : memref<10000x128xf32, #tpu.memory_space<hbm>>) target(%arg11 : memref<80x128xf32, #tpu.memory_space<vmem>>) offsets(%arg7 : memref<80xi32, #tpu.memory_space<vmem>>) semaphore(%arg14 : memref<!tpu.dma_semaphore, #tpu.memory_space<semaphore_mem>>)
    %add3A_10 = arith.constant 80 : i32
    %add3A_11 = arith.addi %mul3A_4, %add3A_10 : i32
    %multiple_of3A_12 = tpu.assume_multiple %add3A_11, 8 : i32
    "tpu.region"() ({
      %run_scoped3A = tpu.sem_alloc : memref<!tpu.dma_semaphore, #tpu.memory_space<semaphore_mem>>
      %dma_start3A_34 = tpu.memref_slice %arg3[%multiple_of3A_12] : memref<163840xi32, #tpu.memory_space<hbm>> -> memref<80xi32, #tpu.memory_space<hbm>>
      %dma_start3A_35 = tpu.memref_slice %arg3[%multiple_of3A_12] : memref<163840xi32, #tpu.memory_space<hbm>> -> memref<80xi32, #tpu.memory_space<hbm>>
      tpu.enqueue_dma source(%dma_start3A_35 : memref<80xi32, #tpu.memory_space<hbm>>) target(%arg8 : memref<80xi32, #tpu.memory_space<vmem>>) target_semaphore(%run_scoped3A : memref<!tpu.dma_semaphore, #tpu.memory_space<semaphore_mem>>)
      %dma_wait3A_36 = tpu.memref_slice %arg3[%multiple_of3A_12] : memref<163840xi32, #tpu.memory_space<hbm>> -> memref<80xi32, #tpu.memory_space<hbm>>
      %dma_wait3A_37 = tpu.memref_slice %arg3[%multiple_of3A_12] : memref<163840xi32, #tpu.memory_space<hbm>> -> memref<80xi32, #tpu.memory_space<hbm>>
      tpu.wait_dma2 semaphore(%run_scoped3A : memref<!tpu.dma_semaphore, #tpu.memory_space<semaphore_mem>>) src(%dma_wait3A_37 : memref<80xi32, #tpu.memory_space<hbm>>) dst(%arg8 : memref<80xi32, #tpu.memory_space<vmem>>)
      tpu.yield
    }) : () -> ()
    "tpu.region"() ({
      %run_scoped3A = tpu.sem_alloc : memref<!tpu.dma_semaphore, #tpu.memory_space<semaphore_mem>>
      %dma_start3A_34 = tpu.memref_slice %arg4[%multiple_of3A_12] : memref<163840xi32, #tpu.memory_space<hbm>> -> memref<80xi32, #tpu.memory_space<hbm>>
      %dma_start3A_35 = tpu.memref_slice %arg4[%multiple_of3A_12] : memref<163840xi32, #tpu.memory_space<hbm>> -> memref<80xi32, #tpu.memory_space<hbm>>
      tpu.enqueue_dma source(%dma_start3A_35 : memref<80xi32, #tpu.memory_space<hbm>>) target(%arg10 : memref<80xi32, #tpu.memory_space<vmem>>) target_semaphore(%run_scoped3A : memref<!tpu.dma_semaphore, #tpu.memory_space<semaphore_mem>>)
      %dma_wait3A_36 = tpu.memref_slice %arg4[%multiple_of3A_12] : memref<163840xi32, #tpu.memory_space<hbm>> -> memref<80xi32, #tpu.memory_space<hbm>>
      %dma_wait3A_37 = tpu.memref_slice %arg4[%multiple_of3A_12] : memref<163840xi32, #tpu.memory_space<hbm>> -> memref<80xi32, #tpu.memory_space<hbm>>
      tpu.wait_dma2 semaphore(%run_scoped3A : memref<!tpu.dma_semaphore, #tpu.memory_space<semaphore_mem>>) src(%dma_wait3A_37 : memref<80xi32, #tpu.memory_space<hbm>>) dst(%arg10 : memref<80xi32, #tpu.memory_space<vmem>>)
      tpu.yield
    }) : () -> ()
    %dma_start3A_13 = arith.constant 0 : i32
    %dma_start3A_14 = arith.constant 0 : i32
    %dma_start3A_15 = tpu.memref_slice %arg2[%dma_start3A_13, %dma_start3A_14] : memref<10000x128xf32, #tpu.memory_space<hbm>> -> memref<10000x128xf32, #tpu.memory_space<hbm>>
    tpu.enqueue_indirect_dma source(%dma_start3A_15 : memref<10000x128xf32, #tpu.memory_space<hbm>>) target(%arg12 : memref<80x128xf32, #tpu.memory_space<vmem>>) offsets(%arg8 : memref<80xi32, #tpu.memory_space<vmem>>) semaphore(%arg15 : memref<!tpu.dma_semaphore, #tpu.memory_space<semaphore_mem>>)
    %scan3A = arith.constant 0 : i32
    %scan3A_16 = arith.constant 0 : i32
    %scan3A_17 = arith.constant 31 : i32
    %scan3A_18 = arith.addi %scan3A_16, %scan3A_17 : i32
    %scan3A_19 = arith.constant 1 : i32
    %scan3A_20 = scf.for %scan3A_34 = %scan3A_16 to %scan3A_18 step %scan3A_19 iter_args(%scan3A_35 = %scan3A) -> (i32)  : i32 {
      %mul3A_36 = arith.constant 2 : i32
      %mul3A_37 = arith.muli %scan3A_34, %mul3A_36 : i32
      %dma_wait3A_38 = arith.constant 0 : i32
      %dma_wait3A_39 = arith.constant 0 : i32
      %dma_wait3A_40 = tpu.memref_slice %arg2[%dma_wait3A_38, %dma_wait3A_39] : memref<10000x128xf32, #tpu.memory_space<hbm>> -> memref<10000x128xf32, #tpu.memory_space<hbm>>
      tpu.wait_indirect_dma semaphore(%arg14 : memref<!tpu.dma_semaphore, #tpu.memory_space<semaphore_mem>>) src(%dma_wait3A_40 : memref<10000x128xf32, #tpu.memory_space<hbm>>) dst(%arg11 : memref<80x128xf32, #tpu.memory_space<vmem>>)
      "tpu.region"() ({
        %run_scoped3A = tpu.sem_alloc : memref<!tpu.dma_semaphore, #tpu.memory_space<semaphore_mem>>
        %dma_start3A_63 = arith.constant 0 : i32
        %dma_start3A_64 = arith.constant 0 : i32
        %dma_start3A_65 = tpu.memref_slice %arg13[%dma_start3A_63, %dma_start3A_64] : memref<10240x128xf32, #tpu.memory_space<vmem_shared>> -> memref<10240x128xf32, #tpu.memory_space<vmem_shared>>
        tpu.enqueue_indirect_dma source(%arg11 : memref<80x128xf32, #tpu.memory_space<vmem>>) target(%dma_start3A_65 : memref<10240x128xf32, #tpu.memory_space<vmem_shared>>) offsets(%arg9 : memref<80xi32, #tpu.memory_space<vmem>>) semaphore(%run_scoped3A : memref<!tpu.dma_semaphore, #tpu.memory_space<semaphore_mem>>) {add = true}
        %dma_wait3A_66 = arith.constant 0 : i32
        %dma_wait3A_67 = arith.constant 0 : i32
        %dma_wait3A_68 = tpu.memref_slice %arg13[%dma_wait3A_66, %dma_wait3A_67] : memref<10240x128xf32, #tpu.memory_space<vmem_shared>> -> memref<10240x128xf32, #tpu.memory_space<vmem_shared>>
        tpu.wait_indirect_dma semaphore(%run_scoped3A : memref<!tpu.dma_semaphore, #tpu.memory_space<semaphore_mem>>) src(%arg11 : memref<80x128xf32, #tpu.memory_space<vmem>>) dst(%dma_wait3A_68 : memref<10240x128xf32, #tpu.memory_space<vmem_shared>>)
        tpu.yield
      }) : () -> ()
      %add3A_41 = arith.constant 2 : i32
      %add3A_42 = arith.addi %mul3A_37, %add3A_41 : i32
      %mul3A_43 = arith.constant 80 : i32
      %mul3A_44 = arith.muli %add3A_42, %mul3A_43 : i32
      %add3A_45 = arith.addi %mul3A_4, %mul3A_44 : i32
      %multiple_of3A_46 = tpu.assume_multiple %add3A_45, 8 : i32
      "tpu.region"() ({
        %run_scoped3A = tpu.sem_alloc : memref<!tpu.dma_semaphore, #tpu.memory_space<semaphore_mem>>
        %dma_start3A_63 = tpu.memref_slice %arg3[%multiple_of3A_46] : memref<163840xi32, #tpu.memory_space<hbm>> -> memref<80xi32, #tpu.memory_space<hbm>>
        %dma_start3A_64 = tpu.memref_slice %arg3[%multiple_of3A_46] : memref<163840xi32, #tpu.memory_space<hbm>> -> memref<80xi32, #tpu.memory_space<hbm>>
        tpu.enqueue_dma source(%dma_start3A_64 : memref<80xi32, #tpu.memory_space<hbm>>) target(%arg7 : memref<80xi32, #tpu.memory_space<vmem>>) target_semaphore(%run_scoped3A : memref<!tpu.dma_semaphore, #tpu.memory_space<semaphore_mem>>)
        %dma_wait3A_65 = tpu.memref_slice %arg3[%multiple_of3A_46] : memref<163840xi32, #tpu.memory_space<hbm>> -> memref<80xi32, #tpu.memory_space<hbm>>
        %dma_wait3A_66 = tpu.memref_slice %arg3[%multiple_of3A_46] : memref<163840xi32, #tpu.memory_space<hbm>> -> memref<80xi32, #tpu.memory_space<hbm>>
        tpu.wait_dma2 semaphore(%run_scoped3A : memref<!tpu.dma_semaphore, #tpu.memory_space<semaphore_mem>>) src(%dma_wait3A_66 : memref<80xi32, #tpu.memory_space<hbm>>) dst(%arg7 : memref<80xi32, #tpu.memory_space<vmem>>)
        tpu.yield
      }) : () -> ()
      "tpu.region"() ({
        %run_scoped3A = tpu.sem_alloc : memref<!tpu.dma_semaphore, #tpu.memory_space<semaphore_mem>>
        %dma_start3A_63 = tpu.memref_slice %arg4[%multiple_of3A_46] : memref<163840xi32, #tpu.memory_space<hbm>> -> memref<80xi32, #tpu.memory_space<hbm>>
        %dma_start3A_64 = tpu.memref_slice %arg4[%multiple_of3A_46] : memref<163840xi32, #tpu.memory_space<hbm>> -> memref<80xi32, #tpu.memory_space<hbm>>
        tpu.enqueue_dma source(%dma_start3A_64 : memref<80xi32, #tpu.memory_space<hbm>>) target(%arg9 : memref<80xi32, #tpu.memory_space<vmem>>) target_semaphore(%run_scoped3A : memref<!tpu.dma_semaphore, #tpu.memory_space<semaphore_mem>>)
        %dma_wait3A_65 = tpu.memref_slice %arg4[%multiple_of3A_46] : memref<163840xi32, #tpu.memory_space<hbm>> -> memref<80xi32, #tpu.memory_space<hbm>>
        %dma_wait3A_66 = tpu.memref_slice %arg4[%multiple_of3A_46] : memref<163840xi32, #tpu.memory_space<hbm>> -> memref<80xi32, #tpu.memory_space<hbm>>
        tpu.wait_dma2 semaphore(%run_scoped3A : memref<!tpu.dma_semaphore, #tpu.memory_space<semaphore_mem>>) src(%dma_wait3A_66 : memref<80xi32, #tpu.memory_space<hbm>>) dst(%arg9 : memref<80xi32, #tpu.memory_space<vmem>>)
        tpu.yield
      }) : () -> ()
      %dma_start3A_47 = arith.constant 0 : i32
      %dma_start3A_48 = arith.constant 0 : i32
      %dma_start3A_49 = tpu.memref_slice %arg2[%dma_start3A_47, %dma_start3A_48] : memref<10000x128xf32, #tpu.memory_space<hbm>> -> memref<10000x128xf32, #tpu.memory_space<hbm>>
      tpu.enqueue_indirect_dma source(%dma_start3A_49 : memref<10000x128xf32, #tpu.memory_space<hbm>>) target(%arg11 : memref<80x128xf32, #tpu.memory_space<vmem>>) offsets(%arg7 : memref<80xi32, #tpu.memory_space<vmem>>) semaphore(%arg14 : memref<!tpu.dma_semaphore, #tpu.memory_space<semaphore_mem>>)
      %dma_wait3A_50 = arith.constant 0 : i32
      %dma_wait3A_51 = arith.constant 0 : i32
      %dma_wait3A_52 = tpu.memref_slice %arg2[%dma_wait3A_50, %dma_wait3A_51] : memref<10000x128xf32, #tpu.memory_space<hbm>> -> memref<10000x128xf32, #tpu.memory_space<hbm>>
      tpu.wait_indirect_dma semaphore(%arg15 : memref<!tpu.dma_semaphore, #tpu.memory_space<semaphore_mem>>) src(%dma_wait3A_52 : memref<10000x128xf32, #tpu.memory_space<hbm>>) dst(%arg12 : memref<80x128xf32, #tpu.memory_space<vmem>>)
      "tpu.region"() ({
        %run_scoped3A = tpu.sem_alloc : memref<!tpu.dma_semaphore, #tpu.memory_space<semaphore_mem>>
        %dma_start3A_63 = arith.constant 0 : i32
        %dma_start3A_64 = arith.constant 0 : i32
        %dma_start3A_65 = tpu.memref_slice %arg13[%dma_start3A_63, %dma_start3A_64] : memref<10240x128xf32, #tpu.memory_space<vmem_shared>> -> memref<10240x128xf32, #tpu.memory_space<vmem_shared>>
        tpu.enqueue_indirect_dma source(%arg12 : memref<80x128xf32, #tpu.memory_space<vmem>>) target(%dma_start3A_65 : memref<10240x128xf32, #tpu.memory_space<vmem_shared>>) offsets(%arg10 : memref<80xi32, #tpu.memory_space<vmem>>) semaphore(%run_scoped3A : memref<!tpu.dma_semaphore, #tpu.memory_space<semaphore_mem>>) {add = true}
        %dma_wait3A_66 = arith.constant 0 : i32
        %dma_wait3A_67 = arith.constant 0 : i32
        %dma_wait3A_68 = tpu.memref_slice %arg13[%dma_wait3A_66, %dma_wait3A_67] : memref<10240x128xf32, #tpu.memory_space<vmem_shared>> -> memref<10240x128xf32, #tpu.memory_space<vmem_shared>>
        tpu.wait_indirect_dma semaphore(%run_scoped3A : memref<!tpu.dma_semaphore, #tpu.memory_space<semaphore_mem>>) src(%arg12 : memref<80x128xf32, #tpu.memory_space<vmem>>) dst(%dma_wait3A_68 : memref<10240x128xf32, #tpu.memory_space<vmem_shared>>)
        tpu.yield
      }) : () -> ()
      %add3A_53 = arith.constant 3 : i32
      %add3A_54 = arith.addi %mul3A_37, %add3A_53 : i32
      %mul3A_55 = arith.constant 80 : i32
      %mul3A_56 = arith.muli %add3A_54, %mul3A_55 : i32
      %add3A_57 = arith.addi %mul3A_4, %mul3A_56 : i32
      %multiple_of3A_58 = tpu.assume_multiple %add3A_57, 8 : i32
      "tpu.region"() ({
        %run_scoped3A = tpu.sem_alloc : memref<!tpu.dma_semaphore, #tpu.memory_space<semaphore_mem>>
        %dma_start3A_63 = tpu.memref_slice %arg3[%multiple_of3A_58] : memref<163840xi32, #tpu.memory_space<hbm>> -> memref<80xi32, #tpu.memory_space<hbm>>
        %dma_start3A_64 = tpu.memref_slice %arg3[%multiple_of3A_58] : memref<163840xi32, #tpu.memory_space<hbm>> -> memref<80xi32, #tpu.memory_space<hbm>>
        tpu.enqueue_dma source(%dma_start3A_64 : memref<80xi32, #tpu.memory_space<hbm>>) target(%arg8 : memref<80xi32, #tpu.memory_space<vmem>>) target_semaphore(%run_scoped3A : memref<!tpu.dma_semaphore, #tpu.memory_space<semaphore_mem>>)
        %dma_wait3A_65 = tpu.memref_slice %arg3[%multiple_of3A_58] : memref<163840xi32, #tpu.memory_space<hbm>> -> memref<80xi32, #tpu.memory_space<hbm>>
        %dma_wait3A_66 = tpu.memref_slice %arg3[%multiple_of3A_58] : memref<163840xi32, #tpu.memory_space<hbm>> -> memref<80xi32, #tpu.memory_space<hbm>>
        tpu.wait_dma2 semaphore(%run_scoped3A : memref<!tpu.dma_semaphore, #tpu.memory_space<semaphore_mem>>) src(%dma_wait3A_66 : memref<80xi32, #tpu.memory_space<hbm>>) dst(%arg8 : memref<80xi32, #tpu.memory_space<vmem>>)
        tpu.yield
      }) : () -> ()
      "tpu.region"() ({
        %run_scoped3A = tpu.sem_alloc : memref<!tpu.dma_semaphore, #tpu.memory_space<semaphore_mem>>
        %dma_start3A_63 = tpu.memref_slice %arg4[%multiple_of3A_58] : memref<163840xi32, #tpu.memory_space<hbm>> -> memref<80xi32, #tpu.memory_space<hbm>>
        %dma_start3A_64 = tpu.memref_slice %arg4[%multiple_of3A_58] : memref<163840xi32, #tpu.memory_space<hbm>> -> memref<80xi32, #tpu.memory_space<hbm>>
        tpu.enqueue_dma source(%dma_start3A_64 : memref<80xi32, #tpu.memory_space<hbm>>) target(%arg10 : memref<80xi32, #tpu.memory_space<vmem>>) target_semaphore(%run_scoped3A : memref<!tpu.dma_semaphore, #tpu.memory_space<semaphore_mem>>)
        %dma_wait3A_65 = tpu.memref_slice %arg4[%multiple_of3A_58] : memref<163840xi32, #tpu.memory_space<hbm>> -> memref<80xi32, #tpu.memory_space<hbm>>
        %dma_wait3A_66 = tpu.memref_slice %arg4[%multiple_of3A_58] : memref<163840xi32, #tpu.memory_space<hbm>> -> memref<80xi32, #tpu.memory_space<hbm>>
        tpu.wait_dma2 semaphore(%run_scoped3A : memref<!tpu.dma_semaphore, #tpu.memory_space<semaphore_mem>>) src(%dma_wait3A_66 : memref<80xi32, #tpu.memory_space<hbm>>) dst(%arg10 : memref<80xi32, #tpu.memory_space<vmem>>)
        tpu.yield
      }) : () -> ()
      %dma_start3A_59 = arith.constant 0 : i32
      %dma_start3A_60 = arith.constant 0 : i32
      %dma_start3A_61 = tpu.memref_slice %arg2[%dma_start3A_59, %dma_start3A_60] : memref<10000x128xf32, #tpu.memory_space<hbm>> -> memref<10000x128xf32, #tpu.memory_space<hbm>>
      tpu.enqueue_indirect_dma source(%dma_start3A_61 : memref<10000x128xf32, #tpu.memory_space<hbm>>) target(%arg12 : memref<80x128xf32, #tpu.memory_space<vmem>>) offsets(%arg8 : memref<80xi32, #tpu.memory_space<vmem>>) semaphore(%arg15 : memref<!tpu.dma_semaphore, #tpu.memory_space<semaphore_mem>>)
      %scan3A_62 = arith.constant 0 : i32
      scf.yield %scan3A_62 : i32
    }
    %scan3A_21 = arith.constant 31 : i32
    %dma_wait3A = arith.constant 0 : i32
    %dma_wait3A_22 = arith.constant 0 : i32
    %dma_wait3A_23 = tpu.memref_slice %arg2[%dma_wait3A, %dma_wait3A_22] : memref<10000x128xf32, #tpu.memory_space<hbm>> -> memref<10000x128xf32, #tpu.memory_space<hbm>>
    tpu.wait_indirect_dma semaphore(%arg14 : memref<!tpu.dma_semaphore, #tpu.memory_space<semaphore_mem>>) src(%dma_wait3A_23 : memref<10000x128xf32, #tpu.memory_space<hbm>>) dst(%arg11 : memref<80x128xf32, #tpu.memory_space<vmem>>)
    "tpu.region"() ({
      %run_scoped3A = tpu.sem_alloc : memref<!tpu.dma_semaphore, #tpu.memory_space<semaphore_mem>>
      %dma_start3A_34 = arith.constant 0 : i32
      %dma_start3A_35 = arith.constant 0 : i32
      %dma_start3A_36 = tpu.memref_slice %arg13[%dma_start3A_34, %dma_start3A_35] : memref<10240x128xf32, #tpu.memory_space<vmem_shared>> -> memref<10240x128xf32, #tpu.memory_space<vmem_shared>>
      tpu.enqueue_indirect_dma source(%arg11 : memref<80x128xf32, #tpu.memory_space<vmem>>) target(%dma_start3A_36 : memref<10240x128xf32, #tpu.memory_space<vmem_shared>>) offsets(%arg9 : memref<80xi32, #tpu.memory_space<vmem>>) semaphore(%run_scoped3A : memref<!tpu.dma_semaphore, #tpu.memory_space<semaphore_mem>>) {add = true}
      %dma_wait3A_37 = arith.constant 0 : i32
      %dma_wait3A_38 = arith.constant 0 : i32
      %dma_wait3A_39 = tpu.memref_slice %arg13[%dma_wait3A_37, %dma_wait3A_38] : memref<10240x128xf32, #tpu.memory_space<vmem_shared>> -> memref<10240x128xf32, #tpu.memory_space<vmem_shared>>
      tpu.wait_indirect_dma semaphore(%run_scoped3A : memref<!tpu.dma_semaphore, #tpu.memory_space<semaphore_mem>>) src(%arg11 : memref<80x128xf32, #tpu.memory_space<vmem>>) dst(%dma_wait3A_39 : memref<10240x128xf32, #tpu.memory_space<vmem_shared>>)
      tpu.yield
    }) : () -> ()
    %dma_wait3A_24 = arith.constant 0 : i32
    %dma_wait3A_25 = arith.constant 0 : i32
    %dma_wait3A_26 = tpu.memref_slice %arg2[%dma_wait3A_24, %dma_wait3A_25] : memref<10000x128xf32, #tpu.memory_space<hbm>> -> memref<10000x128xf32, #tpu.memory_space<hbm>>
    tpu.wait_indirect_dma semaphore(%arg15 : memref<!tpu.dma_semaphore, #tpu.memory_space<semaphore_mem>>) src(%dma_wait3A_26 : memref<10000x128xf32, #tpu.memory_space<hbm>>) dst(%arg12 : memref<80x128xf32, #tpu.memory_space<vmem>>)
    "tpu.region"() ({
      %run_scoped3A = tpu.sem_alloc : memref<!tpu.dma_semaphore, #tpu.memory_space<semaphore_mem>>
      %dma_start3A_34 = arith.constant 0 : i32
      %dma_start3A_35 = arith.constant 0 : i32
      %dma_start3A_36 = tpu.memref_slice %arg13[%dma_start3A_34, %dma_start3A_35] : memref<10240x128xf32, #tpu.memory_space<vmem_shared>> -> memref<10240x128xf32, #tpu.memory_space<vmem_shared>>
      tpu.enqueue_indirect_dma source(%arg12 : memref<80x128xf32, #tpu.memory_space<vmem>>) target(%dma_start3A_36 : memref<10240x128xf32, #tpu.memory_space<vmem_shared>>) offsets(%arg10 : memref<80xi32, #tpu.memory_space<vmem>>) semaphore(%run_scoped3A : memref<!tpu.dma_semaphore, #tpu.memory_space<semaphore_mem>>) {add = true}
      %dma_wait3A_37 = arith.constant 0 : i32
      %dma_wait3A_38 = arith.constant 0 : i32
      %dma_wait3A_39 = tpu.memref_slice %arg13[%dma_wait3A_37, %dma_wait3A_38] : memref<10240x128xf32, #tpu.memory_space<vmem_shared>> -> memref<10240x128xf32, #tpu.memory_space<vmem_shared>>
      tpu.wait_indirect_dma semaphore(%run_scoped3A : memref<!tpu.dma_semaphore, #tpu.memory_space<semaphore_mem>>) src(%arg12 : memref<80x128xf32, #tpu.memory_space<vmem>>) dst(%dma_wait3A_39 : memref<10240x128xf32, #tpu.memory_space<vmem_shared>>)
      tpu.yield
    }) : () -> ()
    %barrier3A_27 = arith.constant 0 : index
    tpu.barrier barrier_id(%barrier3A_27)
    %mul3A_28 = arith.constant 10240 : i32
    %mul3A_29 = arith.muli %arg0, %mul3A_28 : i32
    %mul3A_30 = arith.constant 640 : i32
    %mul3A_31 = arith.muli %arg1, %mul3A_30 : i32
    %add3A_32 = arith.addi %mul3A_29, %mul3A_31 : i32
    %multiple_of3A_33 = tpu.assume_multiple %add3A_32, 8 : i32
    "tpu.region"() ({
      %run_scoped3A = tpu.sem_alloc : memref<!tpu.dma_semaphore, #tpu.memory_space<semaphore_mem>>
      %dma_start3A_34 = arith.constant 0 : i32
      %dma_start3A_35 = tpu.memref_slice %arg6[%multiple_of3A_33, %dma_start3A_34] : memref<20480x128xf32, #tpu.memory_space<hbm>> -> memref<640x128xf32, #tpu.memory_space<hbm>>
      %dma_start3A_36 = arith.constant 0 : i32
      %dma_start3A_37 = tpu.memref_slice %arg13[%multiple_of3A, %dma_start3A_36] : memref<10240x128xf32, #tpu.memory_space<vmem_shared>> -> memref<640x128xf32, #tpu.memory_space<vmem_shared>>
      tpu.enqueue_dma source(%dma_start3A_37 : memref<640x128xf32, #tpu.memory_space<vmem_shared>>) target(%dma_start3A_35 : memref<640x128xf32, #tpu.memory_space<hbm>>) target_semaphore(%run_scoped3A : memref<!tpu.dma_semaphore, #tpu.memory_space<semaphore_mem>>)
      %dma_wait3A_38 = arith.constant 0 : i32
      %dma_wait3A_39 = tpu.memref_slice %arg6[%multiple_of3A_33, %dma_wait3A_38] : memref<20480x128xf32, #tpu.memory_space<hbm>> -> memref<640x128xf32, #tpu.memory_space<hbm>>
      %dma_wait3A_40 = arith.constant 0 : i32
      %dma_wait3A_41 = tpu.memref_slice %arg13[%multiple_of3A, %dma_wait3A_40] : memref<10240x128xf32, #tpu.memory_space<vmem_shared>> -> memref<640x128xf32, #tpu.memory_space<vmem_shared>>
      tpu.wait_dma2 semaphore(%run_scoped3A : memref<!tpu.dma_semaphore, #tpu.memory_space<semaphore_mem>>) src(%dma_wait3A_41 : memref<640x128xf32, #tpu.memory_space<vmem_shared>>) dst(%dma_wait3A_39 : memref<640x128xf32, #tpu.memory_space<hbm>>)
      tpu.yield
    }) : () -> ()
    return
  }
}

#map = affine_map<(d0, d1) -> (0, 0)>
#map1 = affine_map<(d0, d1) -> (0)>
module attributes {stable_mosaic.version = 14 : i64} {
  func.func @agg(%arg0: i32, %arg1: i32, %arg2: memref<20000x128xf32, #tpu.memory_space<hbm>>, %arg3: memref<327680xi32, #tpu.memory_space<hbm>>, %arg4: memref<327680xi32, #tpu.memory_space<hbm>>, %arg5: memref<640x128xf32, #tpu.memory_space<hbm>>, %arg6: memref<20480x128xf32, #tpu.memory_space<hbm>>, %arg7: memref<80xi32, #tpu.memory_space<vmem>>, %arg8: memref<80xi32, #tpu.memory_space<vmem>>, %arg9: memref<80xi32, #tpu.memory_space<vmem>>, %arg10: memref<80xi32, #tpu.memory_space<vmem>>, %arg11: memref<80x128xf32, #tpu.memory_space<vmem>>, %arg12: memref<80x128xf32, #tpu.memory_space<vmem>>, %arg13: memref<10240x128xf32, #tpu.memory_space<vmem_shared>>, %arg14: memref<!tpu.dma_semaphore, #tpu.memory_space<semaphore_mem>>, %arg15: memref<!tpu.dma_semaphore, #tpu.memory_space<semaphore_mem>>) attributes {dimension_semantics = [#tpu.dimension_semantics<core_parallel>, #tpu.dimension_semantics<subcore_parallel>], iteration_bounds = array<i64: 2, 16>, scalar_prefetch = 0 : i64, scratch_operands = 9 : i64, tpu.core_type = #tpu.core_type<sc_vector_subcore>, window_params = [{transform_indices = #map}, {transform_indices = #map1}, {transform_indices = #map1}, {transform_indices = #map}, {transform_indices = #map}]} {
    %mul3A = arith.constant 640 : i32
    %mul3A_0 = arith.muli %arg1, %mul3A : i32
    %multiple_of3A = tpu.assume_multiple %mul3A_0, 8 : i32
    "tpu.region"() ({
      %run_scoped3A = tpu.sem_alloc : memref<!tpu.dma_semaphore, #tpu.memory_space<semaphore_mem>>
      %dma_start3A_34 = arith.constant 0 : i32
      %dma_start3A_35 = tpu.memref_slice %arg13[%multiple_of3A, %dma_start3A_34] : memref<10240x128xf32, #tpu.memory_space<vmem_shared>> -> memref<640x128xf32, #tpu.memory_space<vmem_shared>>
      tpu.enqueue_dma source(%arg5 : memref<640x128xf32, #tpu.memory_space<hbm>>) target(%dma_start3A_35 : memref<640x128xf32, #tpu.memory_space<vmem_shared>>) target_semaphore(%run_scoped3A : memref<!tpu.dma_semaphore, #tpu.memory_space<semaphore_mem>>)
      %dma_wait3A_36 = arith.constant 0 : i32
      %dma_wait3A_37 = tpu.memref_slice %arg13[%multiple_of3A, %dma_wait3A_36] : memref<10240x128xf32, #tpu.memory_space<vmem_shared>> -> memref<640x128xf32, #tpu.memory_space<vmem_shared>>
      tpu.wait_dma2 semaphore(%run_scoped3A : memref<!tpu.dma_semaphore, #tpu.memory_space<semaphore_mem>>) src(%arg5 : memref<640x128xf32, #tpu.memory_space<hbm>>) dst(%dma_wait3A_37 : memref<640x128xf32, #tpu.memory_space<vmem_shared>>)
      tpu.yield
    }) : () -> ()
    %barrier3A = arith.constant 0 : index
    tpu.barrier barrier_id(%barrier3A)
    %mul3A_1 = arith.constant 16 : i32
    %mul3A_2 = arith.muli %arg0, %mul3A_1 : i32
    %add3A = arith.addi %mul3A_2, %arg1 : i32
    %mul3A_3 = arith.constant 10240 : i32
    %mul3A_4 = arith.muli %add3A, %mul3A_3 : i32
    %add3A_5 = arith.constant 0 : i32
    %add3A_6 = arith.addi %mul3A_4, %add3A_5 : i32
    %multiple_of3A_7 = tpu.assume_multiple %add3A_6, 8 : i32
    "tpu.region"() ({
      %run_scoped3A = tpu.sem_alloc : memref<!tpu.dma_semaphore, #tpu.memory_space<semaphore_mem>>
      %dma_start3A_34 = tpu.memref_slice %arg3[%multiple_of3A_7] : memref<327680xi32, #tpu.memory_space<hbm>> -> memref<80xi32, #tpu.memory_space<hbm>>
      %dma_start3A_35 = tpu.memref_slice %arg3[%multiple_of3A_7] : memref<327680xi32, #tpu.memory_space<hbm>> -> memref<80xi32, #tpu.memory_space<hbm>>
      tpu.enqueue_dma source(%dma_start3A_35 : memref<80xi32, #tpu.memory_space<hbm>>) target(%arg7 : memref<80xi32, #tpu.memory_space<vmem>>) target_semaphore(%run_scoped3A : memref<!tpu.dma_semaphore, #tpu.memory_space<semaphore_mem>>)
      %dma_wait3A_36 = tpu.memref_slice %arg3[%multiple_of3A_7] : memref<327680xi32, #tpu.memory_space<hbm>> -> memref<80xi32, #tpu.memory_space<hbm>>
      %dma_wait3A_37 = tpu.memref_slice %arg3[%multiple_of3A_7] : memref<327680xi32, #tpu.memory_space<hbm>> -> memref<80xi32, #tpu.memory_space<hbm>>
      tpu.wait_dma2 semaphore(%run_scoped3A : memref<!tpu.dma_semaphore, #tpu.memory_space<semaphore_mem>>) src(%dma_wait3A_37 : memref<80xi32, #tpu.memory_space<hbm>>) dst(%arg7 : memref<80xi32, #tpu.memory_space<vmem>>)
      tpu.yield
    }) : () -> ()
    "tpu.region"() ({
      %run_scoped3A = tpu.sem_alloc : memref<!tpu.dma_semaphore, #tpu.memory_space<semaphore_mem>>
      %dma_start3A_34 = tpu.memref_slice %arg4[%multiple_of3A_7] : memref<327680xi32, #tpu.memory_space<hbm>> -> memref<80xi32, #tpu.memory_space<hbm>>
      %dma_start3A_35 = tpu.memref_slice %arg4[%multiple_of3A_7] : memref<327680xi32, #tpu.memory_space<hbm>> -> memref<80xi32, #tpu.memory_space<hbm>>
      tpu.enqueue_dma source(%dma_start3A_35 : memref<80xi32, #tpu.memory_space<hbm>>) target(%arg9 : memref<80xi32, #tpu.memory_space<vmem>>) target_semaphore(%run_scoped3A : memref<!tpu.dma_semaphore, #tpu.memory_space<semaphore_mem>>)
      %dma_wait3A_36 = tpu.memref_slice %arg4[%multiple_of3A_7] : memref<327680xi32, #tpu.memory_space<hbm>> -> memref<80xi32, #tpu.memory_space<hbm>>
      %dma_wait3A_37 = tpu.memref_slice %arg4[%multiple_of3A_7] : memref<327680xi32, #tpu.memory_space<hbm>> -> memref<80xi32, #tpu.memory_space<hbm>>
      tpu.wait_dma2 semaphore(%run_scoped3A : memref<!tpu.dma_semaphore, #tpu.memory_space<semaphore_mem>>) src(%dma_wait3A_37 : memref<80xi32, #tpu.memory_space<hbm>>) dst(%arg9 : memref<80xi32, #tpu.memory_space<vmem>>)
      tpu.yield
    }) : () -> ()
    %dma_start3A = arith.constant 0 : i32
    %dma_start3A_8 = arith.constant 0 : i32
    %dma_start3A_9 = tpu.memref_slice %arg2[%dma_start3A, %dma_start3A_8] : memref<20000x128xf32, #tpu.memory_space<hbm>> -> memref<20000x128xf32, #tpu.memory_space<hbm>>
    tpu.enqueue_indirect_dma source(%dma_start3A_9 : memref<20000x128xf32, #tpu.memory_space<hbm>>) target(%arg11 : memref<80x128xf32, #tpu.memory_space<vmem>>) offsets(%arg7 : memref<80xi32, #tpu.memory_space<vmem>>) semaphore(%arg14 : memref<!tpu.dma_semaphore, #tpu.memory_space<semaphore_mem>>)
    %add3A_10 = arith.constant 80 : i32
    %add3A_11 = arith.addi %mul3A_4, %add3A_10 : i32
    %multiple_of3A_12 = tpu.assume_multiple %add3A_11, 8 : i32
    "tpu.region"() ({
      %run_scoped3A = tpu.sem_alloc : memref<!tpu.dma_semaphore, #tpu.memory_space<semaphore_mem>>
      %dma_start3A_34 = tpu.memref_slice %arg3[%multiple_of3A_12] : memref<327680xi32, #tpu.memory_space<hbm>> -> memref<80xi32, #tpu.memory_space<hbm>>
      %dma_start3A_35 = tpu.memref_slice %arg3[%multiple_of3A_12] : memref<327680xi32, #tpu.memory_space<hbm>> -> memref<80xi32, #tpu.memory_space<hbm>>
      tpu.enqueue_dma source(%dma_start3A_35 : memref<80xi32, #tpu.memory_space<hbm>>) target(%arg8 : memref<80xi32, #tpu.memory_space<vmem>>) target_semaphore(%run_scoped3A : memref<!tpu.dma_semaphore, #tpu.memory_space<semaphore_mem>>)
      %dma_wait3A_36 = tpu.memref_slice %arg3[%multiple_of3A_12] : memref<327680xi32, #tpu.memory_space<hbm>> -> memref<80xi32, #tpu.memory_space<hbm>>
      %dma_wait3A_37 = tpu.memref_slice %arg3[%multiple_of3A_12] : memref<327680xi32, #tpu.memory_space<hbm>> -> memref<80xi32, #tpu.memory_space<hbm>>
      tpu.wait_dma2 semaphore(%run_scoped3A : memref<!tpu.dma_semaphore, #tpu.memory_space<semaphore_mem>>) src(%dma_wait3A_37 : memref<80xi32, #tpu.memory_space<hbm>>) dst(%arg8 : memref<80xi32, #tpu.memory_space<vmem>>)
      tpu.yield
    }) : () -> ()
    "tpu.region"() ({
      %run_scoped3A = tpu.sem_alloc : memref<!tpu.dma_semaphore, #tpu.memory_space<semaphore_mem>>
      %dma_start3A_34 = tpu.memref_slice %arg4[%multiple_of3A_12] : memref<327680xi32, #tpu.memory_space<hbm>> -> memref<80xi32, #tpu.memory_space<hbm>>
      %dma_start3A_35 = tpu.memref_slice %arg4[%multiple_of3A_12] : memref<327680xi32, #tpu.memory_space<hbm>> -> memref<80xi32, #tpu.memory_space<hbm>>
      tpu.enqueue_dma source(%dma_start3A_35 : memref<80xi32, #tpu.memory_space<hbm>>) target(%arg10 : memref<80xi32, #tpu.memory_space<vmem>>) target_semaphore(%run_scoped3A : memref<!tpu.dma_semaphore, #tpu.memory_space<semaphore_mem>>)
      %dma_wait3A_36 = tpu.memref_slice %arg4[%multiple_of3A_12] : memref<327680xi32, #tpu.memory_space<hbm>> -> memref<80xi32, #tpu.memory_space<hbm>>
      %dma_wait3A_37 = tpu.memref_slice %arg4[%multiple_of3A_12] : memref<327680xi32, #tpu.memory_space<hbm>> -> memref<80xi32, #tpu.memory_space<hbm>>
      tpu.wait_dma2 semaphore(%run_scoped3A : memref<!tpu.dma_semaphore, #tpu.memory_space<semaphore_mem>>) src(%dma_wait3A_37 : memref<80xi32, #tpu.memory_space<hbm>>) dst(%arg10 : memref<80xi32, #tpu.memory_space<vmem>>)
      tpu.yield
    }) : () -> ()
    %dma_start3A_13 = arith.constant 0 : i32
    %dma_start3A_14 = arith.constant 0 : i32
    %dma_start3A_15 = tpu.memref_slice %arg2[%dma_start3A_13, %dma_start3A_14] : memref<20000x128xf32, #tpu.memory_space<hbm>> -> memref<20000x128xf32, #tpu.memory_space<hbm>>
    tpu.enqueue_indirect_dma source(%dma_start3A_15 : memref<20000x128xf32, #tpu.memory_space<hbm>>) target(%arg12 : memref<80x128xf32, #tpu.memory_space<vmem>>) offsets(%arg8 : memref<80xi32, #tpu.memory_space<vmem>>) semaphore(%arg15 : memref<!tpu.dma_semaphore, #tpu.memory_space<semaphore_mem>>)
    %scan3A = arith.constant 0 : i32
    %scan3A_16 = arith.constant 0 : i32
    %scan3A_17 = arith.constant 63 : i32
    %scan3A_18 = arith.addi %scan3A_16, %scan3A_17 : i32
    %scan3A_19 = arith.constant 1 : i32
    %scan3A_20 = scf.for %scan3A_34 = %scan3A_16 to %scan3A_18 step %scan3A_19 iter_args(%scan3A_35 = %scan3A) -> (i32)  : i32 {
      %mul3A_36 = arith.constant 2 : i32
      %mul3A_37 = arith.muli %scan3A_34, %mul3A_36 : i32
      %dma_wait3A_38 = arith.constant 0 : i32
      %dma_wait3A_39 = arith.constant 0 : i32
      %dma_wait3A_40 = tpu.memref_slice %arg2[%dma_wait3A_38, %dma_wait3A_39] : memref<20000x128xf32, #tpu.memory_space<hbm>> -> memref<20000x128xf32, #tpu.memory_space<hbm>>
      tpu.wait_indirect_dma semaphore(%arg14 : memref<!tpu.dma_semaphore, #tpu.memory_space<semaphore_mem>>) src(%dma_wait3A_40 : memref<20000x128xf32, #tpu.memory_space<hbm>>) dst(%arg11 : memref<80x128xf32, #tpu.memory_space<vmem>>)
      "tpu.region"() ({
        %run_scoped3A = tpu.sem_alloc : memref<!tpu.dma_semaphore, #tpu.memory_space<semaphore_mem>>
        %dma_start3A_63 = arith.constant 0 : i32
        %dma_start3A_64 = arith.constant 0 : i32
        %dma_start3A_65 = tpu.memref_slice %arg13[%dma_start3A_63, %dma_start3A_64] : memref<10240x128xf32, #tpu.memory_space<vmem_shared>> -> memref<10240x128xf32, #tpu.memory_space<vmem_shared>>
        tpu.enqueue_indirect_dma source(%arg11 : memref<80x128xf32, #tpu.memory_space<vmem>>) target(%dma_start3A_65 : memref<10240x128xf32, #tpu.memory_space<vmem_shared>>) offsets(%arg9 : memref<80xi32, #tpu.memory_space<vmem>>) semaphore(%run_scoped3A : memref<!tpu.dma_semaphore, #tpu.memory_space<semaphore_mem>>) {add = true}
        %dma_wait3A_66 = arith.constant 0 : i32
        %dma_wait3A_67 = arith.constant 0 : i32
        %dma_wait3A_68 = tpu.memref_slice %arg13[%dma_wait3A_66, %dma_wait3A_67] : memref<10240x128xf32, #tpu.memory_space<vmem_shared>> -> memref<10240x128xf32, #tpu.memory_space<vmem_shared>>
        tpu.wait_indirect_dma semaphore(%run_scoped3A : memref<!tpu.dma_semaphore, #tpu.memory_space<semaphore_mem>>) src(%arg11 : memref<80x128xf32, #tpu.memory_space<vmem>>) dst(%dma_wait3A_68 : memref<10240x128xf32, #tpu.memory_space<vmem_shared>>)
        tpu.yield
      }) : () -> ()
      %add3A_41 = arith.constant 2 : i32
      %add3A_42 = arith.addi %mul3A_37, %add3A_41 : i32
      %mul3A_43 = arith.constant 80 : i32
      %mul3A_44 = arith.muli %add3A_42, %mul3A_43 : i32
      %add3A_45 = arith.addi %mul3A_4, %mul3A_44 : i32
      %multiple_of3A_46 = tpu.assume_multiple %add3A_45, 8 : i32
      "tpu.region"() ({
        %run_scoped3A = tpu.sem_alloc : memref<!tpu.dma_semaphore, #tpu.memory_space<semaphore_mem>>
        %dma_start3A_63 = tpu.memref_slice %arg3[%multiple_of3A_46] : memref<327680xi32, #tpu.memory_space<hbm>> -> memref<80xi32, #tpu.memory_space<hbm>>
        %dma_start3A_64 = tpu.memref_slice %arg3[%multiple_of3A_46] : memref<327680xi32, #tpu.memory_space<hbm>> -> memref<80xi32, #tpu.memory_space<hbm>>
        tpu.enqueue_dma source(%dma_start3A_64 : memref<80xi32, #tpu.memory_space<hbm>>) target(%arg7 : memref<80xi32, #tpu.memory_space<vmem>>) target_semaphore(%run_scoped3A : memref<!tpu.dma_semaphore, #tpu.memory_space<semaphore_mem>>)
        %dma_wait3A_65 = tpu.memref_slice %arg3[%multiple_of3A_46] : memref<327680xi32, #tpu.memory_space<hbm>> -> memref<80xi32, #tpu.memory_space<hbm>>
        %dma_wait3A_66 = tpu.memref_slice %arg3[%multiple_of3A_46] : memref<327680xi32, #tpu.memory_space<hbm>> -> memref<80xi32, #tpu.memory_space<hbm>>
        tpu.wait_dma2 semaphore(%run_scoped3A : memref<!tpu.dma_semaphore, #tpu.memory_space<semaphore_mem>>) src(%dma_wait3A_66 : memref<80xi32, #tpu.memory_space<hbm>>) dst(%arg7 : memref<80xi32, #tpu.memory_space<vmem>>)
        tpu.yield
      }) : () -> ()
      "tpu.region"() ({
        %run_scoped3A = tpu.sem_alloc : memref<!tpu.dma_semaphore, #tpu.memory_space<semaphore_mem>>
        %dma_start3A_63 = tpu.memref_slice %arg4[%multiple_of3A_46] : memref<327680xi32, #tpu.memory_space<hbm>> -> memref<80xi32, #tpu.memory_space<hbm>>
        %dma_start3A_64 = tpu.memref_slice %arg4[%multiple_of3A_46] : memref<327680xi32, #tpu.memory_space<hbm>> -> memref<80xi32, #tpu.memory_space<hbm>>
        tpu.enqueue_dma source(%dma_start3A_64 : memref<80xi32, #tpu.memory_space<hbm>>) target(%arg9 : memref<80xi32, #tpu.memory_space<vmem>>) target_semaphore(%run_scoped3A : memref<!tpu.dma_semaphore, #tpu.memory_space<semaphore_mem>>)
        %dma_wait3A_65 = tpu.memref_slice %arg4[%multiple_of3A_46] : memref<327680xi32, #tpu.memory_space<hbm>> -> memref<80xi32, #tpu.memory_space<hbm>>
        %dma_wait3A_66 = tpu.memref_slice %arg4[%multiple_of3A_46] : memref<327680xi32, #tpu.memory_space<hbm>> -> memref<80xi32, #tpu.memory_space<hbm>>
        tpu.wait_dma2 semaphore(%run_scoped3A : memref<!tpu.dma_semaphore, #tpu.memory_space<semaphore_mem>>) src(%dma_wait3A_66 : memref<80xi32, #tpu.memory_space<hbm>>) dst(%arg9 : memref<80xi32, #tpu.memory_space<vmem>>)
        tpu.yield
      }) : () -> ()
      %dma_start3A_47 = arith.constant 0 : i32
      %dma_start3A_48 = arith.constant 0 : i32
      %dma_start3A_49 = tpu.memref_slice %arg2[%dma_start3A_47, %dma_start3A_48] : memref<20000x128xf32, #tpu.memory_space<hbm>> -> memref<20000x128xf32, #tpu.memory_space<hbm>>
      tpu.enqueue_indirect_dma source(%dma_start3A_49 : memref<20000x128xf32, #tpu.memory_space<hbm>>) target(%arg11 : memref<80x128xf32, #tpu.memory_space<vmem>>) offsets(%arg7 : memref<80xi32, #tpu.memory_space<vmem>>) semaphore(%arg14 : memref<!tpu.dma_semaphore, #tpu.memory_space<semaphore_mem>>)
      %dma_wait3A_50 = arith.constant 0 : i32
      %dma_wait3A_51 = arith.constant 0 : i32
      %dma_wait3A_52 = tpu.memref_slice %arg2[%dma_wait3A_50, %dma_wait3A_51] : memref<20000x128xf32, #tpu.memory_space<hbm>> -> memref<20000x128xf32, #tpu.memory_space<hbm>>
      tpu.wait_indirect_dma semaphore(%arg15 : memref<!tpu.dma_semaphore, #tpu.memory_space<semaphore_mem>>) src(%dma_wait3A_52 : memref<20000x128xf32, #tpu.memory_space<hbm>>) dst(%arg12 : memref<80x128xf32, #tpu.memory_space<vmem>>)
      "tpu.region"() ({
        %run_scoped3A = tpu.sem_alloc : memref<!tpu.dma_semaphore, #tpu.memory_space<semaphore_mem>>
        %dma_start3A_63 = arith.constant 0 : i32
        %dma_start3A_64 = arith.constant 0 : i32
        %dma_start3A_65 = tpu.memref_slice %arg13[%dma_start3A_63, %dma_start3A_64] : memref<10240x128xf32, #tpu.memory_space<vmem_shared>> -> memref<10240x128xf32, #tpu.memory_space<vmem_shared>>
        tpu.enqueue_indirect_dma source(%arg12 : memref<80x128xf32, #tpu.memory_space<vmem>>) target(%dma_start3A_65 : memref<10240x128xf32, #tpu.memory_space<vmem_shared>>) offsets(%arg10 : memref<80xi32, #tpu.memory_space<vmem>>) semaphore(%run_scoped3A : memref<!tpu.dma_semaphore, #tpu.memory_space<semaphore_mem>>) {add = true}
        %dma_wait3A_66 = arith.constant 0 : i32
        %dma_wait3A_67 = arith.constant 0 : i32
        %dma_wait3A_68 = tpu.memref_slice %arg13[%dma_wait3A_66, %dma_wait3A_67] : memref<10240x128xf32, #tpu.memory_space<vmem_shared>> -> memref<10240x128xf32, #tpu.memory_space<vmem_shared>>
        tpu.wait_indirect_dma semaphore(%run_scoped3A : memref<!tpu.dma_semaphore, #tpu.memory_space<semaphore_mem>>) src(%arg12 : memref<80x128xf32, #tpu.memory_space<vmem>>) dst(%dma_wait3A_68 : memref<10240x128xf32, #tpu.memory_space<vmem_shared>>)
        tpu.yield
      }) : () -> ()
      %add3A_53 = arith.constant 3 : i32
      %add3A_54 = arith.addi %mul3A_37, %add3A_53 : i32
      %mul3A_55 = arith.constant 80 : i32
      %mul3A_56 = arith.muli %add3A_54, %mul3A_55 : i32
      %add3A_57 = arith.addi %mul3A_4, %mul3A_56 : i32
      %multiple_of3A_58 = tpu.assume_multiple %add3A_57, 8 : i32
      "tpu.region"() ({
        %run_scoped3A = tpu.sem_alloc : memref<!tpu.dma_semaphore, #tpu.memory_space<semaphore_mem>>
        %dma_start3A_63 = tpu.memref_slice %arg3[%multiple_of3A_58] : memref<327680xi32, #tpu.memory_space<hbm>> -> memref<80xi32, #tpu.memory_space<hbm>>
        %dma_start3A_64 = tpu.memref_slice %arg3[%multiple_of3A_58] : memref<327680xi32, #tpu.memory_space<hbm>> -> memref<80xi32, #tpu.memory_space<hbm>>
        tpu.enqueue_dma source(%dma_start3A_64 : memref<80xi32, #tpu.memory_space<hbm>>) target(%arg8 : memref<80xi32, #tpu.memory_space<vmem>>) target_semaphore(%run_scoped3A : memref<!tpu.dma_semaphore, #tpu.memory_space<semaphore_mem>>)
        %dma_wait3A_65 = tpu.memref_slice %arg3[%multiple_of3A_58] : memref<327680xi32, #tpu.memory_space<hbm>> -> memref<80xi32, #tpu.memory_space<hbm>>
        %dma_wait3A_66 = tpu.memref_slice %arg3[%multiple_of3A_58] : memref<327680xi32, #tpu.memory_space<hbm>> -> memref<80xi32, #tpu.memory_space<hbm>>
        tpu.wait_dma2 semaphore(%run_scoped3A : memref<!tpu.dma_semaphore, #tpu.memory_space<semaphore_mem>>) src(%dma_wait3A_66 : memref<80xi32, #tpu.memory_space<hbm>>) dst(%arg8 : memref<80xi32, #tpu.memory_space<vmem>>)
        tpu.yield
      }) : () -> ()
      "tpu.region"() ({
        %run_scoped3A = tpu.sem_alloc : memref<!tpu.dma_semaphore, #tpu.memory_space<semaphore_mem>>
        %dma_start3A_63 = tpu.memref_slice %arg4[%multiple_of3A_58] : memref<327680xi32, #tpu.memory_space<hbm>> -> memref<80xi32, #tpu.memory_space<hbm>>
        %dma_start3A_64 = tpu.memref_slice %arg4[%multiple_of3A_58] : memref<327680xi32, #tpu.memory_space<hbm>> -> memref<80xi32, #tpu.memory_space<hbm>>
        tpu.enqueue_dma source(%dma_start3A_64 : memref<80xi32, #tpu.memory_space<hbm>>) target(%arg10 : memref<80xi32, #tpu.memory_space<vmem>>) target_semaphore(%run_scoped3A : memref<!tpu.dma_semaphore, #tpu.memory_space<semaphore_mem>>)
        %dma_wait3A_65 = tpu.memref_slice %arg4[%multiple_of3A_58] : memref<327680xi32, #tpu.memory_space<hbm>> -> memref<80xi32, #tpu.memory_space<hbm>>
        %dma_wait3A_66 = tpu.memref_slice %arg4[%multiple_of3A_58] : memref<327680xi32, #tpu.memory_space<hbm>> -> memref<80xi32, #tpu.memory_space<hbm>>
        tpu.wait_dma2 semaphore(%run_scoped3A : memref<!tpu.dma_semaphore, #tpu.memory_space<semaphore_mem>>) src(%dma_wait3A_66 : memref<80xi32, #tpu.memory_space<hbm>>) dst(%arg10 : memref<80xi32, #tpu.memory_space<vmem>>)
        tpu.yield
      }) : () -> ()
      %dma_start3A_59 = arith.constant 0 : i32
      %dma_start3A_60 = arith.constant 0 : i32
      %dma_start3A_61 = tpu.memref_slice %arg2[%dma_start3A_59, %dma_start3A_60] : memref<20000x128xf32, #tpu.memory_space<hbm>> -> memref<20000x128xf32, #tpu.memory_space<hbm>>
      tpu.enqueue_indirect_dma source(%dma_start3A_61 : memref<20000x128xf32, #tpu.memory_space<hbm>>) target(%arg12 : memref<80x128xf32, #tpu.memory_space<vmem>>) offsets(%arg8 : memref<80xi32, #tpu.memory_space<vmem>>) semaphore(%arg15 : memref<!tpu.dma_semaphore, #tpu.memory_space<semaphore_mem>>)
      %scan3A_62 = arith.constant 0 : i32
      scf.yield %scan3A_62 : i32
    }
    %scan3A_21 = arith.constant 63 : i32
    %dma_wait3A = arith.constant 0 : i32
    %dma_wait3A_22 = arith.constant 0 : i32
    %dma_wait3A_23 = tpu.memref_slice %arg2[%dma_wait3A, %dma_wait3A_22] : memref<20000x128xf32, #tpu.memory_space<hbm>> -> memref<20000x128xf32, #tpu.memory_space<hbm>>
    tpu.wait_indirect_dma semaphore(%arg14 : memref<!tpu.dma_semaphore, #tpu.memory_space<semaphore_mem>>) src(%dma_wait3A_23 : memref<20000x128xf32, #tpu.memory_space<hbm>>) dst(%arg11 : memref<80x128xf32, #tpu.memory_space<vmem>>)
    "tpu.region"() ({
      %run_scoped3A = tpu.sem_alloc : memref<!tpu.dma_semaphore, #tpu.memory_space<semaphore_mem>>
      %dma_start3A_34 = arith.constant 0 : i32
      %dma_start3A_35 = arith.constant 0 : i32
      %dma_start3A_36 = tpu.memref_slice %arg13[%dma_start3A_34, %dma_start3A_35] : memref<10240x128xf32, #tpu.memory_space<vmem_shared>> -> memref<10240x128xf32, #tpu.memory_space<vmem_shared>>
      tpu.enqueue_indirect_dma source(%arg11 : memref<80x128xf32, #tpu.memory_space<vmem>>) target(%dma_start3A_36 : memref<10240x128xf32, #tpu.memory_space<vmem_shared>>) offsets(%arg9 : memref<80xi32, #tpu.memory_space<vmem>>) semaphore(%run_scoped3A : memref<!tpu.dma_semaphore, #tpu.memory_space<semaphore_mem>>) {add = true}
      %dma_wait3A_37 = arith.constant 0 : i32
      %dma_wait3A_38 = arith.constant 0 : i32
      %dma_wait3A_39 = tpu.memref_slice %arg13[%dma_wait3A_37, %dma_wait3A_38] : memref<10240x128xf32, #tpu.memory_space<vmem_shared>> -> memref<10240x128xf32, #tpu.memory_space<vmem_shared>>
      tpu.wait_indirect_dma semaphore(%run_scoped3A : memref<!tpu.dma_semaphore, #tpu.memory_space<semaphore_mem>>) src(%arg11 : memref<80x128xf32, #tpu.memory_space<vmem>>) dst(%dma_wait3A_39 : memref<10240x128xf32, #tpu.memory_space<vmem_shared>>)
      tpu.yield
    }) : () -> ()
    %dma_wait3A_24 = arith.constant 0 : i32
    %dma_wait3A_25 = arith.constant 0 : i32
    %dma_wait3A_26 = tpu.memref_slice %arg2[%dma_wait3A_24, %dma_wait3A_25] : memref<20000x128xf32, #tpu.memory_space<hbm>> -> memref<20000x128xf32, #tpu.memory_space<hbm>>
    tpu.wait_indirect_dma semaphore(%arg15 : memref<!tpu.dma_semaphore, #tpu.memory_space<semaphore_mem>>) src(%dma_wait3A_26 : memref<20000x128xf32, #tpu.memory_space<hbm>>) dst(%arg12 : memref<80x128xf32, #tpu.memory_space<vmem>>)
    "tpu.region"() ({
      %run_scoped3A = tpu.sem_alloc : memref<!tpu.dma_semaphore, #tpu.memory_space<semaphore_mem>>
      %dma_start3A_34 = arith.constant 0 : i32
      %dma_start3A_35 = arith.constant 0 : i32
      %dma_start3A_36 = tpu.memref_slice %arg13[%dma_start3A_34, %dma_start3A_35] : memref<10240x128xf32, #tpu.memory_space<vmem_shared>> -> memref<10240x128xf32, #tpu.memory_space<vmem_shared>>
      tpu.enqueue_indirect_dma source(%arg12 : memref<80x128xf32, #tpu.memory_space<vmem>>) target(%dma_start3A_36 : memref<10240x128xf32, #tpu.memory_space<vmem_shared>>) offsets(%arg10 : memref<80xi32, #tpu.memory_space<vmem>>) semaphore(%run_scoped3A : memref<!tpu.dma_semaphore, #tpu.memory_space<semaphore_mem>>) {add = true}
      %dma_wait3A_37 = arith.constant 0 : i32
      %dma_wait3A_38 = arith.constant 0 : i32
      %dma_wait3A_39 = tpu.memref_slice %arg13[%dma_wait3A_37, %dma_wait3A_38] : memref<10240x128xf32, #tpu.memory_space<vmem_shared>> -> memref<10240x128xf32, #tpu.memory_space<vmem_shared>>
      tpu.wait_indirect_dma semaphore(%run_scoped3A : memref<!tpu.dma_semaphore, #tpu.memory_space<semaphore_mem>>) src(%arg12 : memref<80x128xf32, #tpu.memory_space<vmem>>) dst(%dma_wait3A_39 : memref<10240x128xf32, #tpu.memory_space<vmem_shared>>)
      tpu.yield
    }) : () -> ()
    %barrier3A_27 = arith.constant 0 : index
    tpu.barrier barrier_id(%barrier3A_27)
    %mul3A_28 = arith.constant 10240 : i32
    %mul3A_29 = arith.muli %arg0, %mul3A_28 : i32
    %mul3A_30 = arith.constant 640 : i32
    %mul3A_31 = arith.muli %arg1, %mul3A_30 : i32
    %add3A_32 = arith.addi %mul3A_29, %mul3A_31 : i32
    %multiple_of3A_33 = tpu.assume_multiple %add3A_32, 8 : i32
    "tpu.region"() ({
      %run_scoped3A = tpu.sem_alloc : memref<!tpu.dma_semaphore, #tpu.memory_space<semaphore_mem>>
      %dma_start3A_34 = arith.constant 0 : i32
      %dma_start3A_35 = tpu.memref_slice %arg6[%multiple_of3A_33, %dma_start3A_34] : memref<20480x128xf32, #tpu.memory_space<hbm>> -> memref<640x128xf32, #tpu.memory_space<hbm>>
      %dma_start3A_36 = arith.constant 0 : i32
      %dma_start3A_37 = tpu.memref_slice %arg13[%multiple_of3A, %dma_start3A_36] : memref<10240x128xf32, #tpu.memory_space<vmem_shared>> -> memref<640x128xf32, #tpu.memory_space<vmem_shared>>
      tpu.enqueue_dma source(%dma_start3A_37 : memref<640x128xf32, #tpu.memory_space<vmem_shared>>) target(%dma_start3A_35 : memref<640x128xf32, #tpu.memory_space<hbm>>) target_semaphore(%run_scoped3A : memref<!tpu.dma_semaphore, #tpu.memory_space<semaphore_mem>>)
      %dma_wait3A_38 = arith.constant 0 : i32
      %dma_wait3A_39 = tpu.memref_slice %arg6[%multiple_of3A_33, %dma_wait3A_38] : memref<20480x128xf32, #tpu.memory_space<hbm>> -> memref<640x128xf32, #tpu.memory_space<hbm>>
      %dma_wait3A_40 = arith.constant 0 : i32
      %dma_wait3A_41 = tpu.memref_slice %arg13[%multiple_of3A, %dma_wait3A_40] : memref<10240x128xf32, #tpu.memory_space<vmem_shared>> -> memref<640x128xf32, #tpu.memory_space<vmem_shared>>
      tpu.wait_dma2 semaphore(%run_scoped3A : memref<!tpu.dma_semaphore, #tpu.memory_space<semaphore_mem>>) src(%dma_wait3A_41 : memref<640x128xf32, #tpu.memory_space<vmem_shared>>) dst(%dma_wait3A_39 : memref<640x128xf32, #tpu.memory_space<hbm>>)
      tpu.yield
    }) : () -> ()
    return
  }
}

module attributes {stable_mosaic.version = 14 : i64} {
  func.func @_tc_mm1_body(%arg0: i32, %arg1: i32, %arg2: memref<1000x256xf32, #tpu.memory_space<vmem>>, %arg3: memref<256x128xf32, #tpu.memory_space<vmem>>, %arg4: memref<1x1000x128xf32, #tpu.memory_space<vmem>>) attributes {dimension_semantics = [#tpu.dimension_semantics<arbitrary>, #tpu.dimension_semantics<arbitrary>], iteration_bounds = array<i64: 2, 10>, scalar_prefetch = 0 : i64, scratch_operands = 0 : i64, tpu.core_type = #tpu.core_type<tc>, window_params = [{transform_indices = @transform_0, window_bounds = array<i64: 1000, 256>}, {transform_indices = @transform_1, window_bounds = array<i64: 256, 128>}, {transform_indices = @transform_2, window_bounds = array<i64: 1, 1000, 128>}]} {
    %get3A = arith.constant 0 : index
    %get3A_0 = arith.constant 0 : index
    %get3A_1 = vector.load %arg2[%get3A, %get3A_0] : memref<1000x256xf32, #tpu.memory_space<vmem>>, vector<1000x256xf32>
    %get3A_2 = arith.constant 0 : index
    %get3A_3 = arith.constant 0 : index
    %get3A_4 = vector.load %arg3[%get3A_2, %get3A_3] : memref<256x128xf32, #tpu.memory_space<vmem>>, vector<256x128xf32>
    %dot_general3A = arith.constant dense<0.000000e+00> : vector<1000x128xf32>
    %dot_general3A_5 = tpu.matmul %get3A_1, %get3A_4, %dot_general3A {dimension_numbers = #tpu.dot_dimension_numbers<[1], [0], [0], [1], [0, 0, 1, 1], [], []>, transpose_lhs_hint = false} : vector<1000x256xf32>, vector<256x128xf32>, vector<1000x128xf32> -> vector<1000x128xf32>
    %broadcast_in_dim3A = vector.shape_cast %dot_general3A_5 : vector<1000x128xf32> to vector<1x1000x128xf32>
    %swap3A = arith.constant 0 : index
    %swap3A_6 = arith.constant 0 : index
    %swap3A_7 = arith.constant 0 : index
    %swap3A_8 = vector.load %arg4[%swap3A, %swap3A_6, %swap3A_7] : memref<1x1000x128xf32, #tpu.memory_space<vmem>>, vector<1x1000x128xf32>
    tpu.vector_store %arg4[%swap3A, %swap3A_6, %swap3A_7], %broadcast_in_dim3A {strides = array<i32>} : memref<1x1000x128xf32, #tpu.memory_space<vmem>>, vector<1x1000x128xf32>,
    return
  }
  func.func @transform_0(%arg0: i32, %arg1: i32) -> (i32, i32) {
    %c0_i32 = arith.constant 0 : i32
    %c0_i32_0 = arith.constant 0 : i32
    return %arg1, %c0_i32 : i32, i32
  }
  func.func @transform_1(%arg0: i32, %arg1: i32) -> (i32, i32) {
    %c0_i32 = arith.constant 0 : i32
    %c0_i32_0 = arith.constant 0 : i32
    return %c0_i32, %arg0 : i32, i32
  }
  func.func @transform_2(%arg0: i32, %arg1: i32) -> (i32, i32, i32) {
    %c0_i32 = arith.constant 0 : i32
    %c0_i32_0 = arith.constant 0 : i32
    return %arg0, %arg1, %c0_i32 : i32, i32, i32
  }
}

module attributes {stable_mosaic.version = 14 : i64} {
  func.func @_tc_scale_body(%arg0: i32, %arg1: i32, %arg2: memref<1x1000x128xf32, #tpu.memory_space<vmem>>, %arg3: memref<1000x1xf32, #tpu.memory_space<vmem>>, %arg4: memref<1x1000x128xf32, #tpu.memory_space<vmem>>) attributes {dimension_semantics = [#tpu.dimension_semantics<arbitrary>, #tpu.dimension_semantics<arbitrary>], iteration_bounds = array<i64: 2, 10>, scalar_prefetch = 0 : i64, scratch_operands = 0 : i64, tpu.core_type = #tpu.core_type<tc>, window_params = [{transform_indices = @transform_0, window_bounds = array<i64: 1, 1000, 128>}, {transform_indices = @transform_1, window_bounds = array<i64: 1000, 1>}, {transform_indices = @transform_2, window_bounds = array<i64: 1, 1000, 128>}]} {
    %get3A = arith.constant 0 : index
    %get3A_0 = arith.constant 0 : index
    %get3A_1 = arith.constant 0 : index
    %get3A_2 = vector.load %arg2[%get3A, %get3A_0, %get3A_1] : memref<1x1000x128xf32, #tpu.memory_space<vmem>>, vector<1x1000x128xf32>
    %get3A_3 = arith.constant 0 : index
    %get3A_4 = arith.constant 0 : index
    %get3A_5 = vector.load %arg3[%get3A_3, %get3A_4] : memref<1000x1xf32, #tpu.memory_space<vmem>>, vector<1000x1xf32>
    %broadcast_in_dim3A = vector.shape_cast %get3A_5 : vector<1000x1xf32> to vector<1x1000x1xf32>
    %mul3A = vector.broadcast %broadcast_in_dim3A : vector<1x1000x1xf32> to vector<1x1000x128xf32>
    %mul3A_6 = arith.mulf %get3A_2, %mul3A : vector<1x1000x128xf32>
    %swap3A = arith.constant 0 : index
    %swap3A_7 = arith.constant 0 : index
    %swap3A_8 = arith.constant 0 : index
    %swap3A_9 = vector.load %arg4[%swap3A, %swap3A_7, %swap3A_8] : memref<1x1000x128xf32, #tpu.memory_space<vmem>>, vector<1x1000x128xf32>
    tpu.vector_store %arg4[%swap3A, %swap3A_7, %swap3A_8], %mul3A_6 {strides = array<i32>} : memref<1x1000x128xf32, #tpu.memory_space<vmem>>, vector<1x1000x128xf32>,
    return
  }
  func.func @transform_0(%arg0: i32, %arg1: i32) -> (i32, i32, i32) {
    %c0_i32 = arith.constant 0 : i32
    %c0_i32_0 = arith.constant 0 : i32
    return %arg0, %arg1, %c0_i32 : i32, i32, i32
  }
  func.func @transform_1(%arg0: i32, %arg1: i32) -> (i32, i32) {
    %c0_i32 = arith.constant 0 : i32
    %c0_i32_0 = arith.constant 0 : i32
    return %arg1, %c0_i32 : i32, i32
  }
  func.func @transform_2(%arg0: i32, %arg1: i32) -> (i32, i32, i32) {
    %c0_i32 = arith.constant 0 : i32
    %c0_i32_0 = arith.constant 0 : i32
    return %arg0, %arg1, %c0_i32 : i32, i32, i32
  }
}

module attributes {stable_mosaic.version = 14 : i64} {
  func.func @_tc_dinv_body(%arg0: memref<2x10240x128xf32, #tpu.memory_space<vmem>>, %arg1: memref<10000x1xf32, #tpu.memory_space<vmem>>) attributes {dimension_semantics = [], scalar_prefetch = 0 : i64, scratch_operands = 0 : i64, tpu.core_type = #tpu.core_type<tc>} {
    %get3A = arith.constant 0 : index
    %get3A_0 = arith.constant 0 : index
    %get3A_1 = arith.constant 0 : index
    %get3A_2 = vector.load %arg0[%get3A, %get3A_0, %get3A_1] : memref<2x10240x128xf32, #tpu.memory_space<vmem>>, vector<2x10240x128xf32>
    %reduce_sum3A = arith.constant dense<0.000000e+00> : vector<10240x128xf32>
    %reduce_sum3A_3 = vector.multi_reduction <add>, %get3A_2, %reduce_sum3A [0] : vector<2x10240x128xf32> to vector<10240x128xf32>
    %slice3A = vector.extract_strided_slice %reduce_sum3A_3 {offsets = [0, 0], sizes = [10000, 1], strides = [1, 1]} : vector<10240x128xf32> to vector<10000x1xf32>
    %add3A = arith.constant 1.000000e+00 : f32
    %add3A_4 = vector.broadcast %add3A : f32 to vector<10000x1xf32>
    %add3A_5 = arith.addf %slice3A, %add3A_4 : vector<10000x1xf32>
    %rsqrt3A = math.rsqrt %add3A_5 : vector<10000x1xf32>
    %swap3A = arith.constant 0 : index
    %swap3A_6 = arith.constant 0 : index
    %swap3A_7 = vector.load %arg1[%swap3A, %swap3A_6] : memref<10000x1xf32, #tpu.memory_space<vmem>>, vector<10000x1xf32>
    tpu.vector_store %arg1[%swap3A, %swap3A_6], %rsqrt3A {strides = array<i32>} : memref<10000x1xf32, #tpu.memory_space<vmem>>, vector<10000x1xf32>,
    return
  }
}

module attributes {stable_mosaic.version = 14 : i64} {
  func.func @_tc_z_body(%arg0: i32, %arg1: i32, %arg2: memref<1x1000x128xf32, #tpu.memory_space<vmem>>, %arg3: memref<1x1000x128xf32, #tpu.memory_space<vmem>>, %arg4: memref<1000x1xf32, #tpu.memory_space<vmem>>, %arg5: memref<128xf32, #tpu.memory_space<vmem>>, %arg6: memref<1x1000x128xf32, #tpu.memory_space<vmem>>, %arg7: memref<1x8x128xf32, #tpu.memory_space<vmem>>, %arg8: memref<1x8x128xf32, #tpu.memory_space<vmem>>) attributes {dimension_semantics = [#tpu.dimension_semantics<arbitrary>, #tpu.dimension_semantics<arbitrary>], iteration_bounds = array<i64: 2, 10>, scalar_prefetch = 0 : i64, scratch_operands = 0 : i64, tpu.core_type = #tpu.core_type<tc>, window_params = [{transform_indices = @transform_0, window_bounds = array<i64: 1, 1000, 128>}, {transform_indices = @transform_1, window_bounds = array<i64: 1, 1000, 128>}, {transform_indices = @transform_2, window_bounds = array<i64: 1000, 1>}, {transform_indices = @transform_3, window_bounds = array<i64: 128>}, {transform_indices = @transform_4, window_bounds = array<i64: 1, 1000, 128>}, {transform_indices = @transform_5, window_bounds = array<i64: 1, 8, 128>}, {transform_indices = @transform_6, window_bounds = array<i64: 1, 8, 128>}]} {
    %get3A = arith.constant 0 : index
    %get3A_0 = arith.constant 0 : index
    %get3A_1 = vector.load %arg4[%get3A, %get3A_0] : memref<1000x1xf32, #tpu.memory_space<vmem>>, vector<1000x1xf32>
    %get3A_2 = arith.constant 0 : index
    %get3A_3 = arith.constant 0 : index
    %get3A_4 = arith.constant 0 : index
    %get3A_5 = vector.load %arg2[%get3A_2, %get3A_3, %get3A_4] : memref<1x1000x128xf32, #tpu.memory_space<vmem>>, vector<1x1000x128xf32>
    %get3A_6 = vector.shape_cast %get3A_5 : vector<1x1000x128xf32> to vector<1000x128xf32>
    %get3A_7 = arith.constant 0 : index
    %get3A_8 = arith.constant 0 : index
    %get3A_9 = arith.constant 0 : index
    %get3A_10 = vector.load %arg3[%get3A_7, %get3A_8, %get3A_9] : memref<1x1000x128xf32, #tpu.memory_space<vmem>>, vector<1x1000x128xf32>
    %get3A_11 = vector.shape_cast %get3A_10 : vector<1x1000x128xf32> to vector<1000x128xf32>
    %add3A = arith.addf %get3A_6, %get3A_11 : vector<1000x128xf32>
    %mul3A = vector.broadcast %get3A_1 : vector<1000x1xf32> to vector<1000x128xf32>
    %mul3A_12 = arith.mulf %mul3A, %add3A : vector<1000x128xf32>
    %get3A_13 = arith.constant 0 : index
    %get3A_14 = vector.load %arg5[%get3A_13] : memref<128xf32, #tpu.memory_space<vmem>>, vector<128xf32>
    %broadcast_in_dim3A = vector.shape_cast %get3A_14 : vector<128xf32> to vector<1x128xf32>
    %add3A_15 = vector.broadcast %broadcast_in_dim3A : vector<1x128xf32> to vector<1000x128xf32>
    %add3A_16 = arith.addf %mul3A_12, %add3A_15 : vector<1000x128xf32>
    %broadcast_in_dim3A_17 = vector.shape_cast %add3A_16 : vector<1000x128xf32> to vector<1x1000x128xf32>
    %swap3A = arith.constant 0 : index
    %swap3A_18 = arith.constant 0 : index
    %swap3A_19 = arith.constant 0 : index
    %swap3A_20 = vector.load %arg6[%swap3A, %swap3A_18, %swap3A_19] : memref<1x1000x128xf32, #tpu.memory_space<vmem>>, vector<1x1000x128xf32>
    tpu.vector_store %arg6[%swap3A, %swap3A_18, %swap3A_19], %broadcast_in_dim3A_17 {strides = array<i32>} : memref<1x1000x128xf32, #tpu.memory_space<vmem>>, vector<1x1000x128xf32>,
    %broadcast_in_dim3A_21 = arith.constant 0.000000e+00 : f32
    %broadcast_in_dim3A_22 = vector.broadcast %broadcast_in_dim3A_21 : f32 to vector<7x128xf32>
    %reduce_sum3A = arith.constant dense<0.000000e+00> : vector<128xf32>
    %reduce_sum3A_23 = vector.multi_reduction <add>, %add3A_16, %reduce_sum3A [0] : vector<1000x128xf32> to vector<128xf32>
    %broadcast_in_dim3A_24 = vector.shape_cast %reduce_sum3A_23 : vector<128xf32> to vector<1x128xf32>
    %concatenate3A = tpu.concatenate %broadcast_in_dim3A_24, %broadcast_in_dim3A_22 in 0 : vector<1x128xf32>, vector<7x128xf32> -> vector<8x128xf32>
    %broadcast_in_dim3A_25 = vector.shape_cast %concatenate3A : vector<8x128xf32> to vector<1x8x128xf32>
    %mul3A_26 = arith.mulf %add3A_16, %add3A_16 : vector<1000x128xf32>
    %reduce_sum3A_27 = arith.constant dense<0.000000e+00> : vector<128xf32>
    %reduce_sum3A_28 = vector.multi_reduction <add>, %mul3A_26, %reduce_sum3A_27 [0] : vector<1000x128xf32> to vector<128xf32>
    %broadcast_in_dim3A_29 = vector.shape_cast %reduce_sum3A_28 : vector<128xf32> to vector<1x128xf32>
    %concatenate3A_30 = tpu.concatenate %broadcast_in_dim3A_29, %broadcast_in_dim3A_22 in 0 : vector<1x128xf32>, vector<7x128xf32> -> vector<8x128xf32>
    %broadcast_in_dim3A_31 = vector.shape_cast %concatenate3A_30 : vector<8x128xf32> to vector<1x8x128xf32>
    %eq3A = arith.constant 0 : i32
    %eq3A_32 = arith.cmpi eq, %arg1, %eq3A : i32
    %convert_element_type3A = arith.extui %eq3A_32 : i1 to i32
    %cond3A = arith.constant 0 : i32
    %cond3A_33 = arith.cmpi ne, %convert_element_type3A, %cond3A : i32
    scf.if %cond3A_33 {
      %swap3A_38 = arith.constant 0 : index
      %swap3A_39 = arith.constant 0 : index
      %swap3A_40 = arith.constant 0 : index
      %swap3A_41 = vector.load %arg7[%swap3A_38, %swap3A_39, %swap3A_40] : memref<1x8x128xf32, #tpu.memory_space<vmem>>, vector<1x8x128xf32>
      tpu.vector_store %arg7[%swap3A_38, %swap3A_39, %swap3A_40], %broadcast_in_dim3A_25 {strides = array<i32>} : memref<1x8x128xf32, #tpu.memory_space<vmem>>, vector<1x8x128xf32>,
      %swap3A_42 = arith.constant 0 : index
      %swap3A_43 = arith.constant 0 : index
      %swap3A_44 = arith.constant 0 : index
      %swap3A_45 = vector.load %arg8[%swap3A_42, %swap3A_43, %swap3A_44] : memref<1x8x128xf32, #tpu.memory_space<vmem>>, vector<1x8x128xf32>
      tpu.vector_store %arg8[%swap3A_42, %swap3A_43, %swap3A_44], %broadcast_in_dim3A_31 {strides = array<i32>} : memref<1x8x128xf32, #tpu.memory_space<vmem>>, vector<1x8x128xf32>,
    } else {
    }
    %ne3A = arith.constant 0 : i32
    %ne3A_34 = arith.cmpi ne, %arg1, %ne3A : i32
    %convert_element_type3A_35 = arith.extui %ne3A_34 : i1 to i32
    %cond3A_36 = arith.constant 0 : i32
    %cond3A_37 = arith.cmpi ne, %convert_element_type3A_35, %cond3A_36 : i32
    scf.if %cond3A_37 {
      %get3A_38 = arith.constant 0 : index
      %get3A_39 = arith.constant 0 : index
      %get3A_40 = arith.constant 0 : index
      %get3A_41 = vector.load %arg7[%get3A_38, %get3A_39, %get3A_40] : memref<1x8x128xf32, #tpu.memory_space<vmem>>, vector<1x8x128xf32>
      %add3A_42 = arith.addf %get3A_41, %broadcast_in_dim3A_25 : vector<1x8x128xf32>
      %swap3A_43 = arith.constant 0 : index
      %swap3A_44 = arith.constant 0 : index
      %swap3A_45 = arith.constant 0 : index
      %swap3A_46 = vector.load %arg7[%swap3A_43, %swap3A_44, %swap3A_45] : memref<1x8x128xf32, #tpu.memory_space<vmem>>, vector<1x8x128xf32>
      tpu.vector_store %arg7[%swap3A_43, %swap3A_44, %swap3A_45], %add3A_42 {strides = array<i32>} : memref<1x8x128xf32, #tpu.memory_space<vmem>>, vector<1x8x128xf32>,
      %get3A_47 = arith.constant 0 : index
      %get3A_48 = arith.constant 0 : index
      %get3A_49 = arith.constant 0 : index
      %get3A_50 = vector.load %arg8[%get3A_47, %get3A_48, %get3A_49] : memref<1x8x128xf32, #tpu.memory_space<vmem>>, vector<1x8x128xf32>
      %add3A_51 = arith.addf %get3A_50, %broadcast_in_dim3A_31 : vector<1x8x128xf32>
      %swap3A_52 = arith.constant 0 : index
      %swap3A_53 = arith.constant 0 : index
      %swap3A_54 = arith.constant 0 : index
      %swap3A_55 = vector.load %arg8[%swap3A_52, %swap3A_53, %swap3A_54] : memref<1x8x128xf32, #tpu.memory_space<vmem>>, vector<1x8x128xf32>
      tpu.vector_store %arg8[%swap3A_52, %swap3A_53, %swap3A_54], %add3A_51 {strides = array<i32>} : memref<1x8x128xf32, #tpu.memory_space<vmem>>, vector<1x8x128xf32>,
    } else {
    }
    return
  }
  func.func @transform_0(%arg0: i32, %arg1: i32) -> (i32, i32, i32) {
    %c0_i32 = arith.constant 0 : i32
    %c0_i32_0 = arith.constant 0 : i32
    return %arg0, %arg1, %c0_i32 : i32, i32, i32
  }
  func.func @transform_1(%arg0: i32, %arg1: i32) -> (i32, i32, i32) {
    %c0_i32 = arith.constant 0 : i32
    %c0_i32_0 = arith.constant 0 : i32
    return %arg0, %arg1, %c0_i32 : i32, i32, i32
  }
  func.func @transform_2(%arg0: i32, %arg1: i32) -> (i32, i32) {
    %c0_i32 = arith.constant 0 : i32
    %c0_i32_0 = arith.constant 0 : i32
    return %arg1, %c0_i32 : i32, i32
  }
  func.func @transform_3(%arg0: i32, %arg1: i32) -> i32 {
    %c0_i32 = arith.constant 0 : i32
    return %arg0 : i32
  }
  func.func @transform_4(%arg0: i32, %arg1: i32) -> (i32, i32, i32) {
    %c0_i32 = arith.constant 0 : i32
    %c0_i32_0 = arith.constant 0 : i32
    return %arg0, %arg1, %c0_i32 : i32, i32, i32
  }
  func.func @transform_5(%arg0: i32, %arg1: i32) -> (i32, i32, i32) {
    %c0_i32 = arith.constant 0 : i32
    %c0_i32_0 = arith.constant 0 : i32
    %c0_i32_1 = arith.constant 0 : i32
    return %arg0, %c0_i32, %c0_i32_0 : i32, i32, i32
  }
  func.func @transform_6(%arg0: i32, %arg1: i32) -> (i32, i32, i32) {
    %c0_i32 = arith.constant 0 : i32
    %c0_i32_0 = arith.constant 0 : i32
    %c0_i32_1 = arith.constant 0 : i32
    return %arg0, %c0_i32, %c0_i32_0 : i32, i32, i32
  }
}

module attributes {stable_mosaic.version = 14 : i64} {
  func.func @_tc_bn_mm2_body(%arg0: i32, %arg1: memref<2x1000x128xf32, #tpu.memory_space<vmem>>, %arg2: memref<2x8x128xf32, #tpu.memory_space<vmem>>, %arg3: memref<2x8x128xf32, #tpu.memory_space<vmem>>, %arg4: memref<256xf32, #tpu.memory_space<vmem>>, %arg5: memref<256xf32, #tpu.memory_space<vmem>>, %arg6: memref<256x128xf32, #tpu.memory_space<vmem>>, %arg7: memref<1000x1xf32, #tpu.memory_space<vmem>>, %arg8: memref<1000x128xf32, #tpu.memory_space<vmem>>) attributes {dimension_semantics = [#tpu.dimension_semantics<arbitrary>], iteration_bounds = array<i64: 10>, scalar_prefetch = 0 : i64, scratch_operands = 0 : i64, tpu.core_type = #tpu.core_type<tc>, window_params = [{transform_indices = @transform_0, window_bounds = array<i64: 2, 1000, 128>}, {pipeline_mode = #tpu.pipeline_mode<synchronous>, transform_indices = @transform_1, window_bounds = array<i64: 2, 8, 128>}, {pipeline_mode = #tpu.pipeline_mode<synchronous>, transform_indices = @transform_2, window_bounds = array<i64: 2, 8, 128>}, {pipeline_mode = #tpu.pipeline_mode<synchronous>, transform_indices = @transform_3, window_bounds = array<i64: 256>}, {pipeline_mode = #tpu.pipeline_mode<synchronous>, transform_indices = @transform_4, window_bounds = array<i64: 256>}, {pipeline_mode = #tpu.pipeline_mode<synchronous>, transform_indices = @transform_5, window_bounds = array<i64: 256, 128>}, {transform_indices = @transform_6, window_bounds = array<i64: 1000, 1>}, {transform_indices = @transform_7, window_bounds = array<i64: 1000, 128>}]} {
    %get3A = arith.constant 0 : index
    %get3A_0 = arith.constant 0 : index
    %get3A_1 = arith.constant 0 : index
    %get3A_2 = vector.load %arg2[%get3A, %get3A_0, %get3A_1] : memref<2x8x128xf32, #tpu.memory_space<vmem>>, vector<1x8x128xf32>
    %get3A_3 = vector.shape_cast %get3A_2 : vector<1x8x128xf32> to vector<8x128xf32>
    %reduce_sum3A = arith.constant dense<0.000000e+00> : vector<128xf32>
    %reduce_sum3A_4 = vector.multi_reduction <add>, %get3A_3, %reduce_sum3A [0] : vector<8x128xf32> to vector<128xf32>
    %div3A = arith.constant 1.000000e+04 : f32
    %div3A_5 = vector.broadcast %div3A : f32 to vector<128xf32>
    %div3A_6 = arith.divf %reduce_sum3A_4, %div3A_5 : vector<128xf32>
    %get3A_7 = arith.constant 0 : index
    %get3A_8 = arith.constant 0 : index
    %get3A_9 = arith.constant 0 : index
    %get3A_10 = vector.load %arg3[%get3A_7, %get3A_8, %get3A_9] : memref<2x8x128xf32, #tpu.memory_space<vmem>>, vector<1x8x128xf32>
    %get3A_11 = vector.shape_cast %get3A_10 : vector<1x8x128xf32> to vector<8x128xf32>
    %reduce_sum3A_12 = arith.constant dense<0.000000e+00> : vector<128xf32>
    %reduce_sum3A_13 = vector.multi_reduction <add>, %get3A_11, %reduce_sum3A_12 [0] : vector<8x128xf32> to vector<128xf32>
    %div3A_14 = arith.constant 1.000000e+04 : f32
    %div3A_15 = vector.broadcast %div3A_14 : f32 to vector<128xf32>
    %div3A_16 = arith.divf %reduce_sum3A_13, %div3A_15 : vector<128xf32>
    %mul3A = arith.mulf %div3A_6, %div3A_6 : vector<128xf32>
    %sub3A = arith.subf %div3A_16, %mul3A : vector<128xf32>
    %add3A = arith.constant 9.99999974E-6 : f32
    %add3A_17 = vector.broadcast %add3A : f32 to vector<128xf32>
    %add3A_18 = arith.addf %sub3A, %add3A_17 : vector<128xf32>
    %rsqrt3A = math.rsqrt %add3A_18 : vector<128xf32>
    %get3A_19 = arith.constant 0 : index
    %get3A_20 = vector.load %arg4[%get3A_19] : memref<256xf32, #tpu.memory_space<vmem>>, vector<128xf32>
    %mul3A_21 = arith.mulf %rsqrt3A, %get3A_20 : vector<128xf32>
    %get3A_22 = arith.constant 0 : index
    %get3A_23 = vector.load %arg5[%get3A_22] : memref<256xf32, #tpu.memory_space<vmem>>, vector<128xf32>
    %mul3A_24 = arith.mulf %div3A_6, %mul3A_21 : vector<128xf32>
    %sub3A_25 = arith.subf %get3A_23, %mul3A_24 : vector<128xf32>
    %get3A_26 = arith.constant 0 : index
    %get3A_27 = arith.constant 0 : index
    %get3A_28 = arith.constant 0 : index
    %get3A_29 = vector.load %arg1[%get3A_26, %get3A_27, %get3A_28] : memref<2x1000x128xf32, #tpu.memory_space<vmem>>, vector<1x1000x128xf32>
    %get3A_30 = vector.shape_cast %get3A_29 : vector<1x1000x128xf32> to vector<1000x128xf32>
    %broadcast_in_dim3A = vector.shape_cast %mul3A_21 : vector<128xf32> to vector<1x128xf32>
    %mul3A_31 = vector.broadcast %broadcast_in_dim3A : vector<1x128xf32> to vector<1000x128xf32>
    %mul3A_32 = arith.mulf %get3A_30, %mul3A_31 : vector<1000x128xf32>
    %broadcast_in_dim3A_33 = vector.shape_cast %sub3A_25 : vector<128xf32> to vector<1x128xf32>
    %add3A_34 = vector.broadcast %broadcast_in_dim3A_33 : vector<1x128xf32> to vector<1000x128xf32>
    %add3A_35 = arith.addf %mul3A_32, %add3A_34 : vector<1000x128xf32>
    %max3A = arith.constant 0.000000e+00 : f32
    %max3A_36 = vector.broadcast %max3A : f32 to vector<1000x128xf32>
    %max3A_37 = arith.maximumf %add3A_35, %max3A_36 : vector<1000x128xf32>
    %get3A_38 = arith.constant 0 : index
    %get3A_39 = arith.constant 0 : index
    %get3A_40 = vector.load %arg6[%get3A_38, %get3A_39] : memref<256x128xf32, #tpu.memory_space<vmem>>, vector<128x128xf32>
    %dot_general3A = arith.constant dense<0.000000e+00> : vector<1000x128xf32>
    %dot_general3A_41 = tpu.matmul %max3A_37, %get3A_40, %dot_general3A {dimension_numbers = #tpu.dot_dimension_numbers<[1], [0], [0], [1], [0, 0, 1, 1], [], []>, transpose_lhs_hint = false} : vector<1000x128xf32>, vector<128x128xf32>, vector<1000x128xf32> -> vector<1000x128xf32>
    %get3A_42 = arith.constant 1 : index
    %get3A_43 = arith.constant 0 : index
    %get3A_44 = arith.constant 0 : index
    %get3A_45 = vector.load %arg2[%get3A_42, %get3A_43, %get3A_44] : memref<2x8x128xf32, #tpu.memory_space<vmem>>, vector<1x8x128xf32>
    %get3A_46 = vector.shape_cast %get3A_45 : vector<1x8x128xf32> to vector<8x128xf32>
    %reduce_sum3A_47 = arith.constant dense<0.000000e+00> : vector<128xf32>
    %reduce_sum3A_48 = vector.multi_reduction <add>, %get3A_46, %reduce_sum3A_47 [0] : vector<8x128xf32> to vector<128xf32>
    %div3A_49 = arith.constant 1.000000e+04 : f32
    %div3A_50 = vector.broadcast %div3A_49 : f32 to vector<128xf32>
    %div3A_51 = arith.divf %reduce_sum3A_48, %div3A_50 : vector<128xf32>
    %get3A_52 = arith.constant 1 : index
    %get3A_53 = arith.constant 0 : index
    %get3A_54 = arith.constant 0 : index
    %get3A_55 = vector.load %arg3[%get3A_52, %get3A_53, %get3A_54] : memref<2x8x128xf32, #tpu.memory_space<vmem>>, vector<1x8x128xf32>
    %get3A_56 = vector.shape_cast %get3A_55 : vector<1x8x128xf32> to vector<8x128xf32>
    %reduce_sum3A_57 = arith.constant dense<0.000000e+00> : vector<128xf32>
    %reduce_sum3A_58 = vector.multi_reduction <add>, %get3A_56, %reduce_sum3A_57 [0] : vector<8x128xf32> to vector<128xf32>
    %div3A_59 = arith.constant 1.000000e+04 : f32
    %div3A_60 = vector.broadcast %div3A_59 : f32 to vector<128xf32>
    %div3A_61 = arith.divf %reduce_sum3A_58, %div3A_60 : vector<128xf32>
    %mul3A_62 = arith.mulf %div3A_51, %div3A_51 : vector<128xf32>
    %sub3A_63 = arith.subf %div3A_61, %mul3A_62 : vector<128xf32>
    %add3A_64 = arith.constant 9.99999974E-6 : f32
    %add3A_65 = vector.broadcast %add3A_64 : f32 to vector<128xf32>
    %add3A_66 = arith.addf %sub3A_63, %add3A_65 : vector<128xf32>
    %rsqrt3A_67 = math.rsqrt %add3A_66 : vector<128xf32>
    %get3A_68 = arith.constant 128 : index
    %get3A_69 = vector.load %arg4[%get3A_68] : memref<256xf32, #tpu.memory_space<vmem>>, vector<128xf32>
    %mul3A_70 = arith.mulf %rsqrt3A_67, %get3A_69 : vector<128xf32>
    %get3A_71 = arith.constant 128 : index
    %get3A_72 = vector.load %arg5[%get3A_71] : memref<256xf32, #tpu.memory_space<vmem>>, vector<128xf32>
    %mul3A_73 = arith.mulf %div3A_51, %mul3A_70 : vector<128xf32>
    %sub3A_74 = arith.subf %get3A_72, %mul3A_73 : vector<128xf32>
    %get3A_75 = arith.constant 1 : index
    %get3A_76 = arith.constant 0 : index
    %get3A_77 = arith.constant 0 : index
    %get3A_78 = vector.load %arg1[%get3A_75, %get3A_76, %get3A_77] : memref<2x1000x128xf32, #tpu.memory_space<vmem>>, vector<1x1000x128xf32>
    %get3A_79 = vector.shape_cast %get3A_78 : vector<1x1000x128xf32> to vector<1000x128xf32>
    %broadcast_in_dim3A_80 = vector.shape_cast %mul3A_70 : vector<128xf32> to vector<1x128xf32>
    %mul3A_81 = vector.broadcast %broadcast_in_dim3A_80 : vector<1x128xf32> to vector<1000x128xf32>
    %mul3A_82 = arith.mulf %get3A_79, %mul3A_81 : vector<1000x128xf32>
    %broadcast_in_dim3A_83 = vector.shape_cast %sub3A_74 : vector<128xf32> to vector<1x128xf32>
    %add3A_84 = vector.broadcast %broadcast_in_dim3A_83 : vector<1x128xf32> to vector<1000x128xf32>
    %add3A_85 = arith.addf %mul3A_82, %add3A_84 : vector<1000x128xf32>
    %max3A_86 = arith.constant 0.000000e+00 : f32
    %max3A_87 = vector.broadcast %max3A_86 : f32 to vector<1000x128xf32>
    %max3A_88 = arith.maximumf %add3A_85, %max3A_87 : vector<1000x128xf32>
    %get3A_89 = arith.constant 128 : index
    %get3A_90 = arith.constant 0 : index
    %get3A_91 = vector.load %arg6[%get3A_89, %get3A_90] : memref<256x128xf32, #tpu.memory_space<vmem>>, vector<128x128xf32>
    %dot_general3A_92 = arith.constant dense<0.000000e+00> : vector<1000x128xf32>
    %dot_general3A_93 = tpu.matmul %max3A_88, %get3A_91, %dot_general3A_92 {dimension_numbers = #tpu.dot_dimension_numbers<[1], [0], [0], [1], [0, 0, 1, 1], [], []>, transpose_lhs_hint = false} : vector<1000x128xf32>, vector<128x128xf32>, vector<1000x128xf32> -> vector<1000x128xf32>
    %add3A_94 = arith.addf %dot_general3A_41, %dot_general3A_93 : vector<1000x128xf32>
    %get3A_95 = arith.constant 0 : index
    %get3A_96 = arith.constant 0 : index
    %get3A_97 = vector.load %arg7[%get3A_95, %get3A_96] : memref<1000x1xf32, #tpu.memory_space<vmem>>, vector<1000x1xf32>
    %mul3A_98 = vector.broadcast %get3A_97 : vector<1000x1xf32> to vector<1000x128xf32>
    %mul3A_99 = arith.mulf %add3A_94, %mul3A_98 : vector<1000x128xf32>
    %swap3A = arith.constant 0 : index
    %swap3A_100 = arith.constant 0 : index
    %swap3A_101 = vector.load %arg8[%swap3A, %swap3A_100] : memref<1000x128xf32, #tpu.memory_space<vmem>>, vector<1000x128xf32>
    tpu.vector_store %arg8[%swap3A, %swap3A_100], %mul3A_99 {strides = array<i32>} : memref<1000x128xf32, #tpu.memory_space<vmem>>, vector<1000x128xf32>,
    return
  }
  func.func @transform_0(%arg0: i32) -> (i32, i32, i32) {
    %c0_i32 = arith.constant 0 : i32
    %c0_i32_0 = arith.constant 0 : i32
    %c0_i32_1 = arith.constant 0 : i32
    return %c0_i32, %arg0, %c0_i32_0 : i32, i32, i32
  }
  func.func @transform_1(%arg0: i32) -> (i32, i32, i32) {
    %c0_i32 = arith.constant 0 : i32
    %c0_i32_0 = arith.constant 0 : i32
    %c0_i32_1 = arith.constant 0 : i32
    %c0_i32_2 = arith.constant 0 : i32
    return %c0_i32, %c0_i32_0, %c0_i32_1 : i32, i32, i32
  }
  func.func @transform_2(%arg0: i32) -> (i32, i32, i32) {
    %c0_i32 = arith.constant 0 : i32
    %c0_i32_0 = arith.constant 0 : i32
    %c0_i32_1 = arith.constant 0 : i32
    %c0_i32_2 = arith.constant 0 : i32
    return %c0_i32, %c0_i32_0, %c0_i32_1 : i32, i32, i32
  }
  func.func @transform_3(%arg0: i32) -> i32 {
    %c0_i32 = arith.constant 0 : i32
    %c0_i32_0 = arith.constant 0 : i32
    return %c0_i32 : i32
  }
  func.func @transform_4(%arg0: i32) -> i32 {
    %c0_i32 = arith.constant 0 : i32
    %c0_i32_0 = arith.constant 0 : i32
    return %c0_i32 : i32
  }
  func.func @transform_5(%arg0: i32) -> (i32, i32) {
    %c0_i32 = arith.constant 0 : i32
    %c0_i32_0 = arith.constant 0 : i32
    %c0_i32_1 = arith.constant 0 : i32
    return %c0_i32, %c0_i32_0 : i32, i32
  }
  func.func @transform_6(%arg0: i32) -> (i32, i32) {
    %c0_i32 = arith.constant 0 : i32
    %c0_i32_0 = arith.constant 0 : i32
    return %arg0, %c0_i32 : i32, i32
  }
  func.func @transform_7(%arg0: i32) -> (i32, i32) {
    %c0_i32 = arith.constant 0 : i32
    %c0_i32_0 = arith.constant 0 : i32
    return %arg0, %c0_i32 : i32, i32
  }
}

module attributes {stable_mosaic.version = 14 : i64} {
  func.func @_tc_final_body(%arg0: i32, %arg1: memref<2x1000x128xf32, #tpu.memory_space<vmem>>, %arg2: memref<1000x128xf32, #tpu.memory_space<vmem>>, %arg3: memref<1000x1xf32, #tpu.memory_space<vmem>>, %arg4: memref<128xf32, #tpu.memory_space<vmem>>, %arg5: memref<1000x128xf32, #tpu.memory_space<vmem>>) attributes {dimension_semantics = [#tpu.dimension_semantics<arbitrary>], iteration_bounds = array<i64: 10>, scalar_prefetch = 0 : i64, scratch_operands = 0 : i64, tpu.core_type = #tpu.core_type<tc>, window_params = [{transform_indices = @transform_0, window_bounds = array<i64: 2, 1000, 128>}, {transform_indices = @transform_1, window_bounds = array<i64: 1000, 128>}, {transform_indices = @transform_2, window_bounds = array<i64: 1000, 1>}, {pipeline_mode = #tpu.pipeline_mode<synchronous>, transform_indices = @transform_3, window_bounds = array<i64: 128>}, {transform_indices = @transform_4, window_bounds = array<i64: 1000, 128>}]} {
    %get3A = arith.constant 0 : index
    %get3A_0 = arith.constant 0 : index
    %get3A_1 = vector.load %arg3[%get3A, %get3A_0] : memref<1000x1xf32, #tpu.memory_space<vmem>>, vector<1000x1xf32>
    %get3A_2 = arith.constant 0 : index
    %get3A_3 = arith.constant 0 : index
    %get3A_4 = arith.constant 0 : index
    %get3A_5 = vector.load %arg1[%get3A_2, %get3A_3, %get3A_4] : memref<2x1000x128xf32, #tpu.memory_space<vmem>>, vector<1x1000x128xf32>
    %get3A_6 = vector.shape_cast %get3A_5 : vector<1x1000x128xf32> to vector<1000x128xf32>
    %get3A_7 = arith.constant 1 : index
    %get3A_8 = arith.constant 0 : index
    %get3A_9 = arith.constant 0 : index
    %get3A_10 = vector.load %arg1[%get3A_7, %get3A_8, %get3A_9] : memref<2x1000x128xf32, #tpu.memory_space<vmem>>, vector<1x1000x128xf32>
    %get3A_11 = vector.shape_cast %get3A_10 : vector<1x1000x128xf32> to vector<1000x128xf32>
    %add3A = arith.addf %get3A_6, %get3A_11 : vector<1000x128xf32>
    %get3A_12 = arith.constant 0 : index
    %get3A_13 = arith.constant 0 : index
    %get3A_14 = vector.load %arg2[%get3A_12, %get3A_13] : memref<1000x128xf32, #tpu.memory_space<vmem>>, vector<1000x128xf32>
    %add3A_15 = arith.addf %add3A, %get3A_14 : vector<1000x128xf32>
    %mul3A = vector.broadcast %get3A_1 : vector<1000x1xf32> to vector<1000x128xf32>
    %mul3A_16 = arith.mulf %mul3A, %add3A_15 : vector<1000x128xf32>
    %get3A_17 = arith.constant 0 : index
    %get3A_18 = vector.load %arg4[%get3A_17] : memref<128xf32, #tpu.memory_space<vmem>>, vector<128xf32>
    %broadcast_in_dim3A = vector.shape_cast %get3A_18 : vector<128xf32> to vector<1x128xf32>
    %add3A_19 = vector.broadcast %broadcast_in_dim3A : vector<1x128xf32> to vector<1000x128xf32>
    %add3A_20 = arith.addf %mul3A_16, %add3A_19 : vector<1000x128xf32>
    %reduce_max3A = arith.constant dense<0xFF800000> : vector<1000xf32>
    %reduce_max3A_21 = vector.multi_reduction <maximumf>, %add3A_20, %reduce_max3A [1] : vector<1000x128xf32> to vector<1000xf32>
    %broadcast_in_dim3A_22 = vector.shape_cast %reduce_max3A_21 : vector<1000xf32> to vector<1000x1xf32>
    %sub3A = vector.broadcast %broadcast_in_dim3A_22 : vector<1000x1xf32> to vector<1000x128xf32>
    %sub3A_23 = arith.subf %add3A_20, %sub3A : vector<1000x128xf32>
    %exp3A = math.exp %sub3A_23 : vector<1000x128xf32>
    %reduce_sum3A = arith.constant dense<0.000000e+00> : vector<1000xf32>
    %reduce_sum3A_24 = vector.multi_reduction <add>, %exp3A, %reduce_sum3A [1] : vector<1000x128xf32> to vector<1000xf32>
    %broadcast_in_dim3A_25 = vector.shape_cast %reduce_sum3A_24 : vector<1000xf32> to vector<1000x1xf32>
    %sub3A_26 = vector.broadcast %broadcast_in_dim3A_22 : vector<1000x1xf32> to vector<1000x128xf32>
    %sub3A_27 = arith.subf %add3A_20, %sub3A_26 : vector<1000x128xf32>
    %log3A = math.log %broadcast_in_dim3A_25 : vector<1000x1xf32>
    %sub3A_28 = vector.broadcast %log3A : vector<1000x1xf32> to vector<1000x128xf32>
    %sub3A_29 = arith.subf %sub3A_27, %sub3A_28 : vector<1000x128xf32>
    %swap3A = arith.constant 0 : index
    %swap3A_30 = arith.constant 0 : index
    %swap3A_31 = vector.load %arg5[%swap3A, %swap3A_30] : memref<1000x128xf32, #tpu.memory_space<vmem>>, vector<1000x128xf32>
    tpu.vector_store %arg5[%swap3A, %swap3A_30], %sub3A_29 {strides = array<i32>} : memref<1000x128xf32, #tpu.memory_space<vmem>>, vector<1000x128xf32>,
    return
  }
  func.func @transform_0(%arg0: i32) -> (i32, i32, i32) {
    %c0_i32 = arith.constant 0 : i32
    %c0_i32_0 = arith.constant 0 : i32
    %c0_i32_1 = arith.constant 0 : i32
    return %c0_i32, %arg0, %c0_i32_0 : i32, i32, i32
  }
  func.func @transform_1(%arg0: i32) -> (i32, i32) {
    %c0_i32 = arith.constant 0 : i32
    %c0_i32_0 = arith.constant 0 : i32
    return %arg0, %c0_i32 : i32, i32
  }
  func.func @transform_2(%arg0: i32) -> (i32, i32) {
    %c0_i32 = arith.constant 0 : i32
    %c0_i32_0 = arith.constant 0 : i32
    return %arg0, %c0_i32 : i32, i32
  }
  func.func @transform_3(%arg0: i32) -> i32 {
    %c0_i32 = arith.constant 0 : i32
    %c0_i32_0 = arith.constant 0 : i32
    return %c0_i32 : i32
  }
  func.func @transform_4(%arg0: i32) -> (i32, i32) {
    %c0_i32 = arith.constant 0 : i32
    %c0_i32_0 = arith.constant 0 : i32
    return %arg0, %c0_i32 : i32, i32
  }
}

</mosaic_0001>

<sc_bundles>
// kernel: kernel.11.cloned.1.call-start
scs
__scs_entry_jumppad:
0x0: {  	(pc) =	sbr.rel $0x88, $3  }
0x1: {  	(tag) =	ssettag $0x0;
	lr =	simm.s32 $0x1  }
0x2: {  	[smem:$0x3F99] =	sst lr;
	_ =	strace $0xD0000000  }
0x3: {  	_ = 	snop  }
0x4: {  	_ = 	snop  }
0x5: {  	_ = 	snop  }
0x6: {  	_ = 	snop  }
0x7: {  	_ = 	snop  }
__scs_overlays_trampoline_lowered:
0x8: {  	[smem:$0x3FA8] =	sst s0  }
0x9: {  	[smem:$0x3FA9] =	sst s1  }
0xa: {  	[smem:$0x3FAA] =	sst s2  }
0xb: {  	[smem:$0x3FAB] =	sst s3  }
0xc: {  	[smem:$0x3FAC] =	sst s4  }
0xd: {  	[smem:$0x3FAD] =	sst s5  }
0xe: {  	[smem:$0x3FAE] =	sst s6  }
0xf: {  	[smem:$0x3FAF] =	sst s7  }
0x10: {  	[smem:$0x3FB0] =	sst s8  }
0x11: {  	[smem:$0x3FB1] =	sst s9;
	s0 =	simm.s32 @!p0 $0x0  }
0x12: {  	s1 =	sld [smem:$0x3F97];
	s0 =	simm.s32 @p0 $0x1  }
0x13: {  	[smem:$0x3FB2] =	sst s0;
	s0 =	simm.s32 @!p1 $0x0  }
0x14: {  	s2 =	sld [smem:$0x3F96];
	s0 =	simm.s32 @p1 $0x1  }
0x15: {  	[smem:$0x3FB3] =	sst s0;
	s0 =	simm.s32 @!p2 $0x0  }
0x16: {  	s3 =	sld [smem:$0x3FDB];
	s0 =	simm.s32 @p2 $0x1  }
0x17: {  	s4 =	simm.s32 $0x1BF5;
	[smem:$0x3FB5] =	sst s0  }
0x18: {  	s0 =	sld [smem:$0x3F98];
	_ =	swait.ge [sflag:s4], $0x0  }
0x19: {  	s7 =	sld [smem:$0x3F99]  }
0x1a: {  	s8 =	sadd.s32 $0xFFFFE003, lr  }
0x1b: {  	s9 =	sadd.s32 $0xFFFFFEF7, lr;
	s5 =	simm.s32 $0xFFFFFFFF;
	p2 =	slt.u32 s8, $0xFFFFF086  }
0x1c: {  	p1 =	slt.u32 s9, $0xF7A;
	s5 =	simm.s32 @!p2 $0x0  }
0x1d: {  	s5 =	simm.s32 @p1 $0x1;
	p0 =	seq.s32 s7, s2  }
0x1e: {  	s7 =	smul.u32 @!p0 $0xF7A, s2;
	p2 =	seq.s32 @!p0 s5, $0x0  }
0x1f: {  	s9 =	smul.u32 $0xF7A, s1;
	s8 =	simm.s32 @!p0 $0x1BF5;
	p2 =	por !p2, p0  }
0x20: {  	[sflag:s8] =	ssyncset.s32 @!p0 $0xFFFFF086;
	s6 =	sadd.s32 @!p0 s3, s7;
	s7 =	simm.s32 @!p0 $0x108  }
0x21: {  	s3 =	sadd.s32 s3, s9;
	s6 =	sadd.s32 @!p0 $0x88, s6;
	s7 =	simm.s32 @p2 $0x1082  }
0x22: {  	[simem:s7], [sflag:s8] =	dma.local @!p0 [hbm:s6], $0xF7A  }
0x23: {  	s9 =	sor.u32 $0xD0000000, s2;
	s6 =	simm.s32 $0x108;
	_ =	swait.ge @!p0 [sflag:s8], $0x0  }
0x24: {  	s3 =	sadd.s32 $0x88, s3;
	s6 =	simm.s32 @!p1 $0x1082;
	[sflag:s4] =	ssyncset.s32 $0xFFFFF086  }
0x25: {  	[simem:s6], [sflag:s4] =	dma.local [hbm:s3], $0xF7A  }
0x26: {  	[smem:$0x3F99] =	sst s1;
	(tag) =	ssettag s2;
	_ =	strace s9  }
0x27: {  	s1 =	sld [smem:$0x3FA9]  }
0x28: {  	s2 =	sld [smem:$0x3FAA]  }
0x29: {  	s4 =	sld [smem:$0x3FAC]  }
0x2a: {  	p0 =	seq.s32 s5, $0x0;
	s5 =	sld [smem:$0x3FAD]  }
0x2b: {  	s6 =	sld [smem:$0x3FAE]  }
0x2c: {  	s7 =	sld [smem:$0x3FAF]  }
0x2d: {  	s3 =	simm.s32 $0x108;
	s8 =	sld [smem:$0x3FB0]  }
0x2e: {  	s3 =	simm.s32 @!p0 $0x1082;
	s9 =	sld [smem:$0x3FB1]  }
0x2f: {  	lr =	sadd.s32 s0, s3;
	s0 =	sld [smem:$0x3FA8]  }
0x30: {  	s3 =	sld [smem:$0x3FAB]  }
0x31: {  	[smem:$0x3FB4] =	sst s10  }
0x32: {  	s10 =	sld [smem:$0x3FB2];
	_ =	sdelay $0x3  }
0x33: {  	p0 =	seq.s32 s10, $0x1;
	s10 =	sld [smem:$0x3FB4];
	_ =	sdelay $0x3  }
0x34: {  	[smem:$0x3FB4] =	sst s10  }
0x35: {  	s10 =	sld [smem:$0x3FB3];
	_ =	sdelay $0x3  }
0x36: {  	p1 =	seq.s32 s10, $0x1;
	s10 =	sld [smem:$0x3FB4];
	_ =	sdelay $0x3  }
0x37: {  	[smem:$0x3FB4] =	sst s10  }
0x38: {  	s10 =	sld [smem:$0x3FB5]  }
0x39: {  	_ = 	snop;
	(pc) =	sbr.ind lr, $3  }
0x3a: {  	_ = 	snop  }
0x3b: {  	_ = 	snop  }
0x3c: {  	p2 =	seq.s32 s10, $0x1;
	s10 =	sld [smem:$0x3FB4]  }
0x3d: {  	_ =	shalt  }
0x3e: {  	_ =	shalt  }
0x3f: {  	_ =	shalt  }
0x40: {  	_ =	shalt  }
0x41: {  	_ =	shalt  }
0x42: {  	_ =	shalt  }
0x43: {  	_ =	shalt  }
0x44: {  	_ =	shalt  }
0x45: {  	_ =	shalt  }
0x46: {  	_ =	shalt  }
0x47: {  	_ =	shalt  }
0x48: {  	_ =	shalt  }
0x49: {  	_ =	shalt  }
0x4a: {  	_ =	shalt  }
0x4b: {  	_ =	shalt  }
0x4c: {  	_ =	shalt  }
0x4d: {  	_ =	shalt  }
0x4e: {  	_ =	shalt  }
0x4f: {  	_ =	shalt  }
0x50: {  	_ =	shalt  }
0x51: {  	_ =	shalt  }
0x52: {  	_ =	shalt  }
0x53: {  	_ =	shalt  }
0x54: {  	_ =	shalt  }
0x55: {  	_ =	shalt  }
0x56: {  	_ =	shalt  }
0x57: {  	_ =	shalt  }
0x58: {  	_ =	shalt  }
0x59: {  	_ =	shalt  }
0x5a: {  	_ =	shalt  }
0x5b: {  	_ =	shalt  }
0x5c: {  	_ =	shalt  }
0x5d: {  	_ =	shalt  }
0x5e: {  	_ =	shalt  }
0x5f: {  	_ =	shalt  }
0x60: {  	_ =	shalt  }
0x61: {  	_ =	shalt  }
0x62: {  	_ =	shalt  }
0x63: {  	_ =	shalt  }
0x64: {  	_ =	shalt  }
0x65: {  	_ =	shalt  }
0x66: {  	_ =	shalt  }
0x67: {  	_ =	shalt  }
0x68: {  	_ =	shalt  }
0x69: {  	_ =	shalt  }
0x6a: {  	_ =	shalt  }
0x6b: {  	_ =	shalt  }
0x6c: {  	_ =	shalt  }
0x6d: {  	_ =	shalt  }
0x6e: {  	_ =	shalt  }
0x6f: {  	_ =	shalt  }
0x70: {  	_ =	shalt  }
0x71: {  	_ =	shalt  }
0x72: {  	_ =	shalt  }
0x73: {  	_ =	shalt  }
0x74: {  	_ =	shalt  }
0x75: {  	_ =	shalt  }
0x76: {  	_ =	shalt  }
0x77: {  	_ =	shalt  }
0x78: {  	_ =	shalt  }
0x79: {  	_ =	shalt  }
0x7a: {  	_ =	shalt  }
0x7b: {  	_ =	shalt  }
0x7c: {  	_ =	shalt  }
0x7d: {  	_ =	shalt  }
0x7e: {  	_ =	shalt  }
0x7f: {  	_ =	shalt  }
0x80: {  	_ =	shalt  }
0x81: {  	_ =	shalt  }
0x82: {  	_ =	shalt  }
0x83: {  	_ =	shalt  }
0x84: {  	_ =	shalt  }
0x85: {  	_ =	shalt  }
0x86: {  	_ =	shalt  }
0x87: {  	_ =	shalt  }
.Lfunc_end0:
.L_simem_size_0:
called_computation_lowered:
.L_overlay_start_0:
0x88: {  	s2 =	sld [smem:$0x3FD9]  }
0x89: {  	s3 =	sld [smem:$0x3FFE];
	_ =	sdelay $0x1  }
0x8a: {  	s1 =	srdreg.scid  }
0x8b: {  	s0 =	sand.u32 $0x1, s1  }
0x8c: {  	s16 =	sshll.u32 s0, $0xA;
	s2 =	sadd.s32 s3, s2  }
0x8d: {  	s2 =	sadd.s32 s2, s16  }
0x8e: {  	[smem:$0x3FC0] =	sst s2  }
0x8f: {  	_ = 	snop  }
0x90: {  	(tm) =	ssettm $0x1  }
0x91: {  	s17 =	sld [smem:$0x3FFB];
	_ =	sdelay $0x3  }
0x92: {  	_ =	strace s17  }
0x93: {  	s2 =	sld [smem:$0x3FFC];
	_ =	sdelay $0x3  }
0x94: {  	_ =	strace s2  }
0x95: {  	s2 =	sld [smem:$0x3FFD];
	_ =	sdelay $0x3  }
0x96: {  	_ =	strace s2  }
0x97: {  	_ =	strace $0x8FFFFFFF  }
0x98: {  	s18 =	sld [smem:$0x3FDB];
	_ =	sdelay $0x1  }
0x99: {  	s19 =	simm.s32 $_scs_section_size  }
0x9a: {  	s4 =	simm.s32 $_size__tile_overlayer_lowered;
	s5 =	simm.s32 $_tile_overlayer_lowered  }
0x9b: {  	s22 =	simm.s32 $0x1BFF;
	s21 =	sshll.u32 s5, $0x1;
	s2 =	sadd.s32 s19, s18  }
0x9c: {  	s6 =	simm.s32 $0x0;
	s20 =	sshll.u32 s4, $0x1;
	s4 =	sadd.s32 s21, s2  }
0x9d: {  	[timem:s6], [sflag:s22] =	dma.local [hbm:s4], s20  }
0x9e: {  	_ =	swait.ge [sflag:s22], s20  }
0x9f: {  	s3 =	ssub.s32 $0x0, s20;
	[sflag:s22] =	ssyncset.done $0x0  }
0xa0: {  	[sflag:s22] =	ssyncadd.s32 s3;
	_ =	sdelay $0x1  }
0xa1: {  	s23 =	simm.s32 $0x1B8B  }
0xa2: {  	_ =	swait.ge [sflag:s23], $0x1  }
0xa3: {  	[sflag:s23] =	ssyncset.done $0x0  }
0xa4: {  	s25 =	simm.s32 $0x1B8E;
	s24 =	sld [smem:$0x3FFE];
	[sflag:s23] =	ssyncadd.s32 $0xFFFFFFFF  }
0xa5: {  	s26 =	simm.s32 $execute0_lowered;
	[smem:$0x3FD2] =	sst s25  }
0xa6: {  	s4 =	sshll.u32 s26, $0x1;
	_ =	strace $0x80000046;
	[dreg:$0x1] =	wrdreg $0xFFFFFFFF  }
0xa7: {  	s28 =	simm.s32 $_size_execute0_lowered;
	s2 =	sadd.s32 s2, s4;
	[dreg:$0x0] =	wrdreg $0x0  }
0xa8: {  	s4 =	sshll.u32 s28, $0x1;
	[dreg:$0x2] =	wrdreg s2  }
0xa9: {  	[dreg:$0x3] =	wrdreg s4  }
0xaa: {  	[dreg:$0x4] =	wrdreg $0xC0  }
0xab: {  	_ =	task [dreg:s6], $0x5FFFF  }
0xac: {  	[dreg:$0x1] =	wrdreg $0xFFFFFFFF  }
0xad: {  	[dreg:$0x0] =	wrdreg $0x60  }
0xae: {  	[dreg:$0x2] =	wrdreg s24  }
0xaf: {  	[dreg:$0x3] =	wrdreg $0x28800  }
0xb0: {  	[dreg:$0x4] =	wrdreg $0x9  }
0xb1: {  	_ =	task.clear_ibuf [dreg:s6], $0x5FFFF;
	_ =	strace $0x90000046  }
0xb2: {  	s29 =	simm.s32 $0x9;
	_ =	strace $0x80000048  }
0xb3: {  	_ =	swait.ge [sflag:s29], $0x1  }
0xb4: {  	[sflag:s29] =	ssyncadd.s32 $0xFFFFFFFF  }
0xb5: {  	_ =	strace $0x90000048  }
0xb6: {  	_ =	sfence  }
0xb7: {  	s30 =	sld [smem:$0x0];
	_ =	sdelay $0x2  }
0xb8: {  	s31 =	sshll.u32 s1, $0xD;
	s1 =	sshrl.u32 s1, $0x2  }
0xb9: {  	s3 =	sand.u32 $0x4000, s31;
	s1 =	sadd.s32 s1, s30  }
0xba: {  	s0 =	sor.u32 s3, s0;
	s1 =	sshll.u32 s1, $0x11  }
0xbb: {  	s0 =	sor.u32 s1, s0  }
0xbc: {  	s0 =	sadd.s32 $0x8F2B, s0  }
0xbd: {  	[sflag:s0] =	ssyncadd.remote.s32 $0x1  }
0xbe: {  	_ =	sfence.sel $0xFFFF  }
0xbf: {  	[dreg:$0x0] =	wrdreg $0xFFFFFFFF;
	(pc) =	sbr.abs _section_cstart, $3  }
0xc0: {  	[dreg:$0x1] =	wrdreg $0xFFFFFFFF  }
0xc1: {  	_ =	task.clear_ibuf [dreg:s6], $0x2FFFF;
	_ =	strace $0x9FFFFFFF  }
0xc2: {  	(tm) =	ssettm $0x7FFFFFFF  }
0xc3: {  	_ =	shalt  }
tec
execute0_lowered:
.L_overlay_start_1:
0x0: {  	(tag) =	ssettag $0x1  }
0x1: {  	s0 =	srdreg.scid;
	s6 =	rddreg [dreg:$0x0]  }
0x2: {  	s2 =	rddreg [dreg:$0x1];
	s7 =	sand.u32 $0x1, s0  }
0x3: {  	s0 =	stileid.u32;
	s4 =	smul.u32 $0x14000, s7  }
0x4: {  	s1 =	rddreg [dreg:$0x2];
	s3 =	simm.s32 $0x0;
	s5 =	smul.u32 $0x1400, s0  }
0x5: {  	s13 =	simm.s32 $0x50;
	[smem:$0x7FF] =	sst s3;
	s8 =	smul.u32 $0x2800, s0  }
0x6: {  	s14 =	simm.s32 $0x0;
	_ =	strace $0x80000047;
	s9 =	smul.u32 $0x28000, s7  }
0x7: {  	s11 =	smul.u32 $0x50000, s0;
	s7 =	ssub.s32 $0x2, s7;
	s31 =	sshll.u32 s0, $0x6  }
0x8: {  	s28 =	sshrl.u32 s7, $0x1;
	s4 =	sadd.s32 s5, s4;
	s5 =	sadd.s32 $0x8200, s6  }
0x9: {  	s8 =	sadd.s32 s8, s9;
	s29 =	sshrl.u32 s11, $0x2;
	s30 =	ssub.s32 s7, s28  }
0xa: {  	s11 =	simm.s32 $0x1;
	s4 =	sshrl.u32 s4, $0x3;
	s8 =	sadd.s32 s8, s6  }
0xb: {  	s12 =	sadd.s32 s29, s2;
	s10 =	sadd.s32 s4, s6;
	s4 =	sadd.s32 $0xAA00, s6  }
0xc: {  	s6 =	sor.u32 $0x1C01, s31;
	s7 =	sadd.s32 $0xB000, s8;
	s8 =	smax.u32 s30, $0x1  }
0xd: {  	s9 =	sadd.s32 $0x3200, s10;
	s10 =	sshrl.u32 s12, $0x3;
	s12 =	simm.s32 $0x80  }
.LBB2_1:
0xe: {  	[spmem:s10], [sflag:s6] =	dma.local [hbm:s5], $0x2800  }
0xf: {  	_ =	swait.ge [sflag:s11], $0x2800  }
0x10: {  	[sflag:s11] =	ssyncset.done $0x0  }
0x11: {  	[sflag:s11] =	ssyncadd.s32 $0xFFFFD800  }
0x12: {  	[tilespmem:s12], [sflag:$0x1] =	stream.linear.gather [hbm4b:s4+s3], $0x2800, $0x38;
	[tilespmem:$0x16880] =	vst v63  }
0x13: {  	_ =	swait.ge [sflag:s11], $0x2800  }
0x14: {  	[sflag:s11] =	ssyncset.done $0x0  }
0x15: {  	[sflag:s11] =	ssyncadd.s32 $0xFFFFD800  }
0x16: {  	s15 =	sadd.s32 $0x0, s9;
	[bflag:$0x0] =	sbarrier.arrive $0xFFFF  }
0x17: {  	[tilespmem:s3], [sflag:$0x1] =	stream.linear.gather [hbm4b:s15+s3], $0x50, $0x38;
	[tilespmem:$0x16880] =	vst v63  }
0x18: {  	_ =	swait.ge [sflag:s11], $0x50  }
0x19: {  	[sflag:s11] =	ssyncset.done $0x0  }
0x1a: {  	[sflag:s11] =	ssyncadd.s32 $0xFFFFFFB0  }
0x1b: {  	[spmem:s2] =	stream.indirect.scatter.add.f32 [tilespmem:s12], [sflag:$0x1], $0x80, s3, s13, $0xb8;
	[tilespmem:$0x16880] =	vst v63  }
0x1c: {  	_ =	swait.ge [sflag:s11], $0x2800  }
0x1d: {  	s16 =	simm.s32 $0x14;
	s15 =	simm.s32 $0xA;
	[sflag:s11] =	ssyncset.done $0x0  }
.LBB2_2:
0x1e: {  	s17 =	sadd.s32 s15, s9  }
0x1f: {  	[sflag:s11] =	ssyncadd.s32 $0xFFFFD800;
	s15 =	smov.u32 s16;
	s18 =	sadd.s32 $0xA, s16  }
0x20: {  	[tilespmem:s3], [sflag:$0x1] =	stream.linear.gather [hbm4b:s17+s3], $0x50, $0x38;
	[tilespmem:$0x16880] =	vst v63  }
0x21: {  	p0 =	sne.s32 s16, $0x276;
	_ =	swait.ge [sflag:s11], $0x50  }
.Ltmp0:
0x22: {  	[sflag:s11] =	ssyncset.done $0x0;
	(pc) =	sbr.rel @p0 .LBB2_2-.Ltmp0, $4  }
0x23: {  	[sflag:s11] =	ssyncadd.s32 $0xFFFFFFB0  }
0x24: {  	[spmem:s2] =	stream.indirect.scatter.add.f32 [tilespmem:s12], [sflag:$0x1], $0x80, s3, s13, $0xb8;
	[tilespmem:$0x16880] =	vst v63  }
0x25: {  	_ =	swait.ge [sflag:s11], $0x2800  }
0x26: {  	s16 =	smov.u32 s18;
	[sflag:s11] =	ssyncset.done $0x0  }
0x27: {  	s15 =	sadd.s32 s15, s9;
	[sflag:s11] =	ssyncadd.s32 $0xFFFFD800  }
0x28: {  	[tilespmem:s3], [sflag:$0x1] =	stream.linear.gather [hbm4b:s15+s3], $0x50, $0x38;
	[tilespmem:$0x16880] =	vst v63  }
0x29: {  	_ =	swait.ge [sflag:s11], $0x50  }
0x2a: {  	[sflag:s11] =	ssyncset.done $0x0  }
0x2b: {  	[sflag:s11] =	ssyncadd.s32 $0xFFFFFFB0  }
0x2c: {  	[spmem:s2] =	stream.indirect.scatter.add.f32 [tilespmem:s12], [sflag:$0x1], $0x80, s3, s13, $0xb8;
	[tilespmem:$0x16880] =	vst v63  }
0x2d: {  	_ =	swait.ge [sflag:s11], $0x2800  }
0x2e: {  	s14 =	sadd.s32 $0x1, s14;
	[sflag:s11] =	ssyncset.done $0x0  }
0x2f: {  	p0 =	sne.s32 s14, s8;
	[sflag:s11] =	ssyncadd.s32 $0xFFFFD800  }
.Ltmp1:
0x30: {  	[bflag:$0x0] =	sbarrier.arrive $0xFFFF;
	(pc) =	sbr.rel @p0 .LBB2_1-.Ltmp1, $4  }
0x31: {  	[hbm:s7], [sflag:s6] =	dma.local [spmem:s10], $0x2800  }
0x32: {  	_ =	swait.ge [sflag:s11], $0x2800  }
0x33: {  	[sflag:s11] =	ssyncset.done $0x0  }
0x34: {  	[sflag:s11] =	ssyncadd.s32 $0xFFFFD800  }
0x35: {  	_ =	sfence.sel $0x180000  }
0x36: {  	[bflag:$0x0] =	sbarrier.arrive $0xFFFF  }
0x37: {  	p0 =	sne.s32 s0, $0x0;
	_ =	strace $0x90000047  }
0x38: {  	s0 =	sadd.s32 @!p0 $0x100000, s1;
	[bflag:$0x2] =	sbarrier.arrive $0xFFFF  }
0x39: {  	[sflag:s0] =	ssyncadd.tile.s32 @!p0 $0x1;
	_ =	shalt  }
.Lfunc_end2:
_tile_overlayer_lowered:
.L_overlay_start_2:
0x3a: {  	(tag) =	ssettag $0x2  }
0x3b: {  	s0 =	rddreg [dreg:$0x0];
	s2 =	stileid.u32  }
0x3c: {  	s1 =	rddreg [dreg:$0x1];
	p0 =	sne.s32 s2, $0x0  }
0x3d: {  	s3 =	rddreg [dreg:$0x2];
	[bflag:$0x3] =	sbarrier.arrive $0xFFFF;
	s2 =	simm.s32 @!p0 $0x1C01  }
0x3e: {  	[timem:s3], [sflag:s2] =	dma.local @!p0 [hbm:s0], s1  }
0x3f: {  	s0 =	simm.s32 @!p0 $0x1  }
0x40: {  	_ =	swait.ge @!p0 [sflag:s0], s1  }
0x41: {  	s1 =	ssub.s32 @!p0 $0x0, s1;
	[sflag:s0] =	ssyncset.done @!p0 $0x0  }
0x42: {  	[sflag:s0] =	ssyncadd.s32 @!p0 s1  }
0x43: {  	[bflag:$0x3] =	sbarrier.arrive $0xFFFF  }
0x44: {  	_ =	shalt  }

// kernel: kernel.14.cloned.1.call-start
scs
__scs_entry_jumppad:
0x0: {  	(pc) =	sbr.rel $0x88, $3  }
0x1: {  	(tag) =	ssettag $0x0;
	lr =	simm.s32 $0x1  }
0x2: {  	[smem:$0x3F99] =	sst lr;
	_ =	strace $0xD0000000  }
0x3: {  	_ = 	snop  }
0x4: {  	_ = 	snop  }
0x5: {  	_ = 	snop  }
0x6: {  	_ = 	snop  }
0x7: {  	_ = 	snop  }
__scs_overlays_trampoline_lowered:
0x8: {  	[smem:$0x3FA8] =	sst s0  }
0x9: {  	[smem:$0x3FA9] =	sst s1  }
0xa: {  	[smem:$0x3FAA] =	sst s2  }
0xb: {  	[smem:$0x3FAB] =	sst s3  }
0xc: {  	[smem:$0x3FAC] =	sst s4  }
0xd: {  	[smem:$0x3FAD] =	sst s5  }
0xe: {  	[smem:$0x3FAE] =	sst s6  }
0xf: {  	[smem:$0x3FAF] =	sst s7  }
0x10: {  	[smem:$0x3FB0] =	sst s8  }
0x11: {  	[smem:$0x3FB1] =	sst s9;
	s0 =	simm.s32 @!p0 $0x0  }
0x12: {  	s1 =	sld [smem:$0x3F97];
	s0 =	simm.s32 @p0 $0x1  }
0x13: {  	[smem:$0x3FB2] =	sst s0;
	s0 =	simm.s32 @!p1 $0x0  }
0x14: {  	s2 =	sld [smem:$0x3F96];
	s0 =	simm.s32 @p1 $0x1  }
0x15: {  	[smem:$0x3FB3] =	sst s0;
	s0 =	simm.s32 @!p2 $0x0  }
0x16: {  	s3 =	sld [smem:$0x3FDB];
	s0 =	simm.s32 @p2 $0x1  }
0x17: {  	s4 =	simm.s32 $0x1BF5;
	[smem:$0x3FB5] =	sst s0  }
0x18: {  	s0 =	sld [smem:$0x3F98];
	_ =	swait.ge [sflag:s4], $0x0  }
0x19: {  	s7 =	sld [smem:$0x3F99]  }
0x1a: {  	s8 =	sadd.s32 $0xFFFFE003, lr  }
0x1b: {  	s9 =	sadd.s32 $0xFFFFFEF7, lr;
	s5 =	simm.s32 $0xFFFFFFFF;
	p2 =	slt.u32 s8, $0xFFFFF086  }
0x1c: {  	p1 =	slt.u32 s9, $0xF7A;
	s5 =	simm.s32 @!p2 $0x0  }
0x1d: {  	s5 =	simm.s32 @p1 $0x1;
	p0 =	seq.s32 s7, s2  }
0x1e: {  	s7 =	smul.u32 @!p0 $0xF7A, s2;
	p2 =	seq.s32 @!p0 s5, $0x0  }
0x1f: {  	s9 =	smul.u32 $0xF7A, s1;
	s8 =	simm.s32 @!p0 $0x1BF5;
	p2 =	por !p2, p0  }
0x20: {  	[sflag:s8] =	ssyncset.s32 @!p0 $0xFFFFF086;
	s6 =	sadd.s32 @!p0 s3, s7;
	s7 =	simm.s32 @!p0 $0x108  }
0x21: {  	s3 =	sadd.s32 s3, s9;
	s6 =	sadd.s32 @!p0 $0x88, s6;
	s7 =	simm.s32 @p2 $0x1082  }
0x22: {  	[simem:s7], [sflag:s8] =	dma.local @!p0 [hbm:s6], $0xF7A  }
0x23: {  	s9 =	sor.u32 $0xD0000000, s2;
	s6 =	simm.s32 $0x108;
	_ =	swait.ge @!p0 [sflag:s8], $0x0  }
0x24: {  	s3 =	sadd.s32 $0x88, s3;
	s6 =	simm.s32 @!p1 $0x1082;
	[sflag:s4] =	ssyncset.s32 $0xFFFFF086  }
0x25: {  	[simem:s6], [sflag:s4] =	dma.local [hbm:s3], $0xF7A  }
0x26: {  	[smem:$0x3F99] =	sst s1;
	(tag) =	ssettag s2;
	_ =	strace s9  }
0x27: {  	s1 =	sld [smem:$0x3FA9]  }
0x28: {  	s2 =	sld [smem:$0x3FAA]  }
0x29: {  	s4 =	sld [smem:$0x3FAC]  }
0x2a: {  	p0 =	seq.s32 s5, $0x0;
	s5 =	sld [smem:$0x3FAD]  }
0x2b: {  	s6 =	sld [smem:$0x3FAE]  }
0x2c: {  	s7 =	sld [smem:$0x3FAF]  }
0x2d: {  	s3 =	simm.s32 $0x108;
	s8 =	sld [smem:$0x3FB0]  }
0x2e: {  	s3 =	simm.s32 @!p0 $0x1082;
	s9 =	sld [smem:$0x3FB1]  }
0x2f: {  	lr =	sadd.s32 s0, s3;
	s0 =	sld [smem:$0x3FA8]  }
0x30: {  	s3 =	sld [smem:$0x3FAB]  }
0x31: {  	[smem:$0x3FB4] =	sst s10  }
0x32: {  	s10 =	sld [smem:$0x3FB2];
	_ =	sdelay $0x3  }
0x33: {  	p0 =	seq.s32 s10, $0x1;
	s10 =	sld [smem:$0x3FB4];
	_ =	sdelay $0x3  }
0x34: {  	[smem:$0x3FB4] =	sst s10  }
0x35: {  	s10 =	sld [smem:$0x3FB3];
	_ =	sdelay $0x3  }
0x36: {  	p1 =	seq.s32 s10, $0x1;
	s10 =	sld [smem:$0x3FB4];
	_ =	sdelay $0x3  }
0x37: {  	[smem:$0x3FB4] =	sst s10  }
0x38: {  	s10 =	sld [smem:$0x3FB5]  }
0x39: {  	_ = 	snop;
	(pc) =	sbr.ind lr, $3  }
0x3a: {  	_ = 	snop  }
0x3b: {  	_ = 	snop  }
0x3c: {  	p2 =	seq.s32 s10, $0x1;
	s10 =	sld [smem:$0x3FB4]  }
0x3d: {  	_ =	shalt  }
0x3e: {  	_ =	shalt  }
0x3f: {  	_ =	shalt  }
0x40: {  	_ =	shalt  }
0x41: {  	_ =	shalt  }
0x42: {  	_ =	shalt  }
0x43: {  	_ =	shalt  }
0x44: {  	_ =	shalt  }
0x45: {  	_ =	shalt  }
0x46: {  	_ =	shalt  }
0x47: {  	_ =	shalt  }
0x48: {  	_ =	shalt  }
0x49: {  	_ =	shalt  }
0x4a: {  	_ =	shalt  }
0x4b: {  	_ =	shalt  }
0x4c: {  	_ =	shalt  }
0x4d: {  	_ =	shalt  }
0x4e: {  	_ =	shalt  }
0x4f: {  	_ =	shalt  }
0x50: {  	_ =	shalt  }
0x51: {  	_ =	shalt  }
0x52: {  	_ =	shalt  }
0x53: {  	_ =	shalt  }
0x54: {  	_ =	shalt  }
0x55: {  	_ =	shalt  }
0x56: {  	_ =	shalt  }
0x57: {  	_ =	shalt  }
0x58: {  	_ =	shalt  }
0x59: {  	_ =	shalt  }
0x5a: {  	_ =	shalt  }
0x5b: {  	_ =	shalt  }
0x5c: {  	_ =	shalt  }
0x5d: {  	_ =	shalt  }
0x5e: {  	_ =	shalt  }
0x5f: {  	_ =	shalt  }
0x60: {  	_ =	shalt  }
0x61: {  	_ =	shalt  }
0x62: {  	_ =	shalt  }
0x63: {  	_ =	shalt  }
0x64: {  	_ =	shalt  }
0x65: {  	_ =	shalt  }
0x66: {  	_ =	shalt  }
0x67: {  	_ =	shalt  }
0x68: {  	_ =	shalt  }
0x69: {  	_ =	shalt  }
0x6a: {  	_ =	shalt  }
0x6b: {  	_ =	shalt  }
0x6c: {  	_ =	shalt  }
0x6d: {  	_ =	shalt  }
0x6e: {  	_ =	shalt  }
0x6f: {  	_ =	shalt  }
0x70: {  	_ =	shalt  }
0x71: {  	_ =	shalt  }
0x72: {  	_ =	shalt  }
0x73: {  	_ =	shalt  }
0x74: {  	_ =	shalt  }
0x75: {  	_ =	shalt  }
0x76: {  	_ =	shalt  }
0x77: {  	_ =	shalt  }
0x78: {  	_ =	shalt  }
0x79: {  	_ =	shalt  }
0x7a: {  	_ =	shalt  }
0x7b: {  	_ =	shalt  }
0x7c: {  	_ =	shalt  }
0x7d: {  	_ =	shalt  }
0x7e: {  	_ =	shalt  }
0x7f: {  	_ =	shalt  }
0x80: {  	_ =	shalt  }
0x81: {  	_ =	shalt  }
0x82: {  	_ =	shalt  }
0x83: {  	_ =	shalt  }
0x84: {  	_ =	shalt  }
0x85: {  	_ =	shalt  }
0x86: {  	_ =	shalt  }
0x87: {  	_ =	shalt  }
.Lfunc_end0:
.L_simem_size_0:
called_computation.1_lowered:
.L_overlay_start_0:
0x88: {  	s2 =	sld [smem:$0x3FD9]  }
0x89: {  	s3 =	sld [smem:$0x3FFE];
	_ =	sdelay $0x1  }
0x8a: {  	s1 =	srdreg.scid  }
0x8b: {  	s0 =	sand.u32 $0x1, s1  }
0x8c: {  	s17 =	sshll.u32 s0, $0xA;
	s2 =	sadd.s32 s3, s2  }
0x8d: {  	s2 =	sadd.s32 s2, s17  }
0x8e: {  	[smem:$0x3FC0] =	sst s2  }
0x8f: {  	_ = 	snop  }
0x90: {  	s2 =	sld [smem:$0x3FD0];
	(tm) =	ssettm $0x1  }
0x91: {  	s18 =	sld [smem:$0x3FFB];
	_ =	sdelay $0x3  }
0x92: {  	_ =	strace s18  }
0x93: {  	s3 =	sld [smem:$0x3FFC];
	_ =	sdelay $0x3  }
0x94: {  	_ =	strace s3  }
0x95: {  	s3 =	sld [smem:$0x3FFD];
	_ =	sdelay $0x3  }
0x96: {  	_ =	strace s3  }
0x97: {  	_ =	strace $0x8FFFFFFF  }
0x98: {  	s19 =	sld [smem:$0x3FDB];
	_ =	sdelay $0x1  }
0x99: {  	s4 =	simm.s32 $_scs_section_size  }
0x9a: {  	s5 =	simm.s32 $_size__tile_overlayer_lowered;
	s6 =	simm.s32 $_tile_overlayer_lowered  }
0x9b: {  	s22 =	simm.s32 $0x1BFF;
	s21 =	sshll.u32 s6, $0x1;
	s3 =	sadd.s32 s4, s19  }
0x9c: {  	s7 =	simm.s32 $0x0;
	s20 =	sshll.u32 s5, $0x1;
	s5 =	sadd.s32 s21, s3  }
0x9d: {  	[timem:s7], [sflag:s22] =	dma.local [hbm:s5], s20  }
0x9e: {  	_ =	swait.ge [sflag:s22], s20  }
0x9f: {  	s4 =	ssub.s32 $0x0, s20;
	[sflag:s22] =	ssyncset.done $0x0  }
0xa0: {  	[sflag:s22] =	ssyncadd.s32 s4;
	_ =	sdelay $0x1  }
0xa1: {  	s23 =	simm.s32 $0x1B8B  }
0xa2: {  	_ =	swait.ge [sflag:s23], $0x1  }
0xa3: {  	[sflag:s23] =	ssyncset.done $0x0  }
0xa4: {  	s25 =	simm.s32 $0x1B8E;
	s24 =	sld [smem:$0x3FFE];
	[sflag:s23] =	ssyncadd.s32 $0xFFFFFFFF  }
0xa5: {  	s26 =	simm.s32 $execute0_lowered;
	[smem:$0x3FD2] =	sst s25  }
0xa6: {  	s5 =	sshll.u32 s26, $0x1;
	_ =	strace $0x80000049;
	[dreg:$0x1] =	wrdreg $0xFFFFFFFF  }
0xa7: {  	s28 =	simm.s32 $_size_execute0_lowered;
	s3 =	sadd.s32 s3, s5;
	[dreg:$0x0] =	wrdreg $0x0  }
0xa8: {  	s5 =	sshll.u32 s28, $0x1;
	[dreg:$0x2] =	wrdreg s3  }
0xa9: {  	[dreg:$0x3] =	wrdreg s5  }
0xaa: {  	[dreg:$0x4] =	wrdreg $0xC0  }
0xab: {  	_ =	task [dreg:s7], $0x5FFFF  }
0xac: {  	[dreg:$0x1] =	wrdreg $0xFFFFFFFF  }
0xad: {  	[dreg:$0x0] =	wrdreg $0x60  }
0xae: {  	[dreg:$0x2] =	wrdreg s24  }
0xaf: {  	[dreg:$0x3] =	wrdreg s2  }
0xb0: {  	[dreg:$0x4] =	wrdreg $0x52000  }
0xb1: {  	[dreg:$0x5] =	wrdreg $0x9  }
0xb2: {  	_ =	task.clear_ibuf [dreg:s7], $0x6FFFF;
	_ =	strace $0x90000049  }
0xb3: {  	s29 =	simm.s32 $0x9;
	_ =	strace $0x8000004B  }
0xb4: {  	_ =	swait.ge [sflag:s29], $0x1  }
0xb5: {  	[sflag:s29] =	ssyncadd.s32 $0xFFFFFFFF  }
0xb6: {  	_ =	strace $0x9000004B  }
0xb7: {  	_ =	sfence  }
0xb8: {  	s30 =	sld [smem:$0x0];
	_ =	sdelay $0x2  }
0xb9: {  	s31 =	sshll.u32 s1, $0xD;
	s1 =	sshrl.u32 s1, $0x2  }
0xba: {  	s3 =	sand.u32 $0x4000, s31;
	s1 =	sadd.s32 s1, s30  }
0xbb: {  	s0 =	sor.u32 s3, s0;
	s1 =	sshll.u32 s1, $0x11  }
0xbc: {  	s0 =	sor.u32 s1, s0  }
0xbd: {  	s0 =	sadd.s32 $0x8F2B, s0  }
0xbe: {  	[sflag:s0] =	ssyncadd.remote.s32 $0x1  }
0xbf: {  	_ =	sfence.sel $0xFFFF  }
0xc0: {  	[dreg:$0x0] =	wrdreg $0xFFFFFFFF;
	(pc) =	sbr.abs _section_cstart, $3  }
0xc1: {  	[dreg:$0x1] =	wrdreg $0xFFFFFFFF  }
0xc2: {  	_ =	task.clear_ibuf [dreg:s7], $0x2FFFF;
	_ =	strace $0x9FFFFFFF  }
0xc3: {  	(tm) =	ssettm $0x7FFFFFFF  }
tec
execute0_lowered:
.L_overlay_start_1:
0x0: {  	(tag) =	ssettag $0x1  }
0x1: {  	s6 =	rddreg [dreg:$0x0]  }
0x2: {  	s16 =	rddreg [dreg:$0x1]  }
0x3: {  	s1 =	rddreg [dreg:$0x2]  }
0x4: {  	s0 =	rddreg [dreg:$0x3]  }
0x5: {  	s2 =	simm.s32 $0x0;
	s5 =	srdreg.scid;
	s3 =	stileid.u32  }
0x6: {  	s19 =	simm.s32 $0x100;
	s20 =	simm.s32 $0x50;
	s21 =	simm.s32 $0x200  }
0x7: {  	s28 =	simm.s32 $0x0;
	[smem:$0x7FF] =	sst s2;
	s4 =	sadd.s32 $0xAA00, s6  }
0x8: {  	s15 =	sadd.s32 $0x5B000, s6;
	s7 =	sand.u32 $0x1, s5;
	s8 =	smul.u32 $0x2800, s3  }
0x9: {  	s5 =	sadd.s32 $0x8200, s6;
	s11 =	smul.u32 $0x50000, s3;
	s25 =	sshll.u32 s3, $0x6  }
0xa: {  	s9 =	smul.u32 $0x28000, s7;
	s10 =	sshll.u32 s7, $0x4;
	s7 =	ssub.s32 $0x2, s7  }
0xb: {  	_ =	strace $0x8000004A;
	s10 =	sor.u32 s3, s10;
	s22 =	sshrl.u32 s7, $0x1  }
0xc: {  	s24 =	sshrl.u32 s11, $0x2;
	s12 =	sadd.s32 s8, s9;
	s23 =	smul.u32 $0x2800, s10  }
0xd: {  	s14 =	ssub.s32 s7, s22;
	s17 =	sadd.s32 s24, s1;
	s22 =	simm.s32 $0x80  }
0xe: {  	s24 =	simm.s32 $0x2A00;
	s13 =	sadd.s32 s12, s6;
	s6 =	sor.u32 $0x1C03, s25  }
0xf: {  	s30 =	sor.u32 $0xF0, s12;
	s18 =	sor.u32 $0xA0, s12;
	s12 =	smax.u32 s14, $0x1  }
0x10: {  	s17 =	sshrl.u32 s17, $0x3;
	s25 =	simm.s32 $0x1;
	s26 =	sshrl.u32 s23, $0x3  }
0x11: {  	s11 =	sadd.s32 $0x65000, s13;
	s31 =	sshrl.u32 s30, $0x3;
	s18 =	sshrl.u32 s18, $0x3  }
0x12: {  	s23 =	simm.s32 $0x180;
	s7 =	sadd.s32 s16, s26;
	s29 =	sor.u32 $0xA, s26  }
0x13: {  	s8 =	sadd.s32 s15, s26;
	s13 =	sadd.s32 s31, s15;
	s14 =	sadd.s32 s31, s16  }
0x14: {  	s26 =	simm.s32 $0x2;
	s9 =	sadd.s32 s16, s29;
	s10 =	sadd.s32 s15, s29  }
0x15: {  	s15 =	sadd.s32 s18, s15;
	s16 =	sadd.s32 s18, s16;
	s18 =	simm.s32 $0x3  }
.LBB2_1:
0x16: {  	[spmem:s17], [sflag:s6] =	dma.local [hbm:s5], $0x2800  }
0x17: {  	_ =	swait.ge [sflag:s18], $0x2800  }
0x18: {  	[sflag:s18] =	ssyncset.done $0x0  }
0x19: {  	[sflag:s18] =	ssyncadd.s32 $0xFFFFD800  }
0x1a: {  	[bflag:$0x0] =	sbarrier.arrive $0xFFFF  }
0x1b: {  	[tilespmem:s2], [sflag:$0x3] =	stream.linear.gather [hbm4b:s7+s2], $0x50, $0x38;
	[tilespmem:$0x19200] =	vst v63  }
0x1c: {  	_ =	swait.ge [sflag:s18], $0x50  }
0x1d: {  	[sflag:s18] =	ssyncset.done $0x0  }
0x1e: {  	[sflag:s18] =	ssyncadd.s32 $0xFFFFFFB0  }
0x1f: {  	[tilespmem:s19], [sflag:$0x3] =	stream.linear.gather [hbm4b:s8+s2], $0x50, $0x38;
	[tilespmem:$0x19200] =	vst v63  }
0x20: {  	_ =	swait.ge [sflag:s18], $0x50  }
0x21: {  	[sflag:s18] =	ssyncset.done $0x0  }
0x22: {  	[sflag:s18] =	ssyncadd.s32 $0xFFFFFFB0  }
0x23: {  	[tilespmem:s21], [sflag:$0x1] =	stream.indirect.gather [hbm4b:s4+s20], $0x80, s2, s20, $0xb8;
	[tilespmem:$0x19200] =	vst v63  }
0x24: {  	_ = 	snop  }
0x25: {  	[tilespmem:s22], [sflag:$0x3] =	stream.linear.gather [hbm4b:s9+s2], $0x50, $0x38;
	[tilespmem:$0x19200] =	vst v63  }
0x26: {  	_ =	swait.ge [sflag:s18], $0x50  }
0x27: {  	[sflag:s18] =	ssyncset.done $0x0  }
0x28: {  	[sflag:s18] =	ssyncadd.s32 $0xFFFFFFB0  }
0x29: {  	[tilespmem:s23], [sflag:$0x3] =	stream.linear.gather [hbm4b:s10+s2], $0x50, $0x38;
	[tilespmem:$0x19200] =	vst v63  }
0x2a: {  	_ =	swait.ge [sflag:s18], $0x50  }
0x2b: {  	[sflag:s18] =	ssyncset.done $0x0  }
0x2c: {  	[sflag:s18] =	ssyncadd.s32 $0xFFFFFFB0  }
0x2d: {  	[tilespmem:s24], [sflag:$0x2] =	stream.indirect.gather [hbm4b:s4+s20], $0x80, s22, s20, $0xb8;
	[tilespmem:$0x19200] =	vst v63  }
0x2e: {  	_ =	swait.ge [sflag:s25], $0x2800  }
0x2f: {  	[sflag:s25] =	ssyncset.done $0x0  }
0x30: {  	[sflag:s25] =	ssyncadd.s32 $0xFFFFD800  }
0x31: {  	[spmem:s1] =	stream.indirect.scatter.add.f32 [tilespmem:s21], [sflag:$0x3], $0x80, s19, s20, $0xb8;
	[tilespmem:$0x19200] =	vst v63  }
0x32: {  	_ =	swait.ge [sflag:s18], $0x2800  }
0x33: {  	[sflag:s18] =	ssyncset.done $0x0  }
0x34: {  	s29 =	sadd.s32 $0x0, s16;
	[sflag:s18] =	ssyncadd.s32 $0xFFFFD800  }
0x35: {  	[tilespmem:s2], [sflag:$0x3] =	stream.linear.gather [hbm4b:s29+s2], $0x50, $0x38;
	[tilespmem:$0x19200] =	vst v63  }
0x36: {  	_ =	swait.ge [sflag:s18], $0x50  }
0x37: {  	[sflag:s18] =	ssyncset.done $0x0  }
0x38: {  	s29 =	sadd.s32 $0x0, s15;
	[sflag:s18] =	ssyncadd.s32 $0xFFFFFFB0  }
0x39: {  	[tilespmem:s19], [sflag:$0x3] =	stream.linear.gather [hbm4b:s29+s2], $0x50, $0x38;
	[tilespmem:$0x19200] =	vst v63  }
0x3a: {  	_ =	swait.ge [sflag:s18], $0x50  }
0x3b: {  	[sflag:s18] =	ssyncset.done $0x0  }
0x3c: {  	[sflag:s18] =	ssyncadd.s32 $0xFFFFFFB0  }
0x3d: {  	[tilespmem:s21], [sflag:$0x1] =	stream.indirect.gather [hbm4b:s4+s20], $0x80, s2, s20, $0xb8;
	[tilespmem:$0x19200] =	vst v63  }
0x3e: {  	_ =	swait.ge [sflag:s26], $0x2800  }
0x3f: {  	[sflag:s26] =	ssyncset.done $0x0  }
0x40: {  	[sflag:s26] =	ssyncadd.s32 $0xFFFFD800  }
0x41: {  	[spmem:s1] =	stream.indirect.scatter.add.f32 [tilespmem:s24], [sflag:$0x3], $0x80, s23, s20, $0xb8;
	[tilespmem:$0x19200] =	vst v63  }
0x42: {  	_ =	swait.ge [sflag:s18], $0x2800  }
0x43: {  	[sflag:s18] =	ssyncset.done $0x0  }
0x44: {  	s29 =	sadd.s32 $0x0, s14;
	[sflag:s18] =	ssyncadd.s32 $0xFFFFD800  }
0x45: {  	[tilespmem:s22], [sflag:$0x3] =	stream.linear.gather [hbm4b:s29+s2], $0x50, $0x38;
	[tilespmem:$0x19200] =	vst v63  }
0x46: {  	_ =	swait.ge [sflag:s18], $0x50  }
0x47: {  	[sflag:s18] =	ssyncset.done $0x0  }
0x48: {  	s29 =	sadd.s32 $0x0, s13;
	[sflag:s18] =	ssyncadd.s32 $0xFFFFFFB0  }
0x49: {  	[tilespmem:s23], [sflag:$0x3] =	stream.linear.gather [hbm4b:s29+s2], $0x50, $0x38;
	[tilespmem:$0x19200] =	vst v63  }
0x4a: {  	_ =	swait.ge [sflag:s18], $0x50  }
0x4b: {  	[sflag:s18] =	ssyncset.done $0x0  }
0x4c: {  	s29 =	simm.s32 $0x14;
	[sflag:s18] =	ssyncadd.s32 $0xFFFFFFB0  }
.LBB2_2:
0x4d: {  	[tilespmem:s24], [sflag:$0x2] =	stream.indirect.gather [hbm4b:s4+s20], $0x80, s22, s20, $0xb8;
	[tilespmem:$0x19200] =	vst v63  }
0x4e: {  	s30 =	smov.u32 s29  }
0x4f: {  	p0 =	sne.s32 s29, $0x4D8;
	s29 =	sadd.s32 $0x14, s29;
	_ =	swait.ge [sflag:s25], $0x2800  }
0x50: {  	[sflag:s25] =	ssyncset.done $0x0  }
0x51: {  	[sflag:s25] =	ssyncadd.s32 $0xFFFFD800  }
0x52: {  	[spmem:s1] =	stream.indirect.scatter.add.f32 [tilespmem:s21], [sflag:$0x3], $0x80, s19, s20, $0xb8;
	[tilespmem:$0x19200] =	vst v63  }
0x53: {  	_ =	swait.ge [sflag:s18], $0x2800  }
0x54: {  	[sflag:s18] =	ssyncset.done $0x0  }
0x55: {  	s31 =	sadd.s32 s30, s16;
	[sflag:s18] =	ssyncadd.s32 $0xFFFFD800  }
0x56: {  	[tilespmem:s2], [sflag:$0x3] =	stream.linear.gather [hbm4b:s31+s2], $0x50, $0x38;
	[tilespmem:$0x19200] =	vst v63  }
0x57: {  	_ =	swait.ge [sflag:s18], $0x50  }
0x58: {  	[sflag:s18] =	ssyncset.done $0x0  }
0x59: {  	s31 =	sadd.s32 s30, s15;
	[sflag:s18] =	ssyncadd.s32 $0xFFFFFFB0  }
0x5a: {  	[tilespmem:s19], [sflag:$0x3] =	stream.linear.gather [hbm4b:s31+s2], $0x50, $0x38;
	[tilespmem:$0x19200] =	vst v63  }
0x5b: {  	_ =	swait.ge [sflag:s18], $0x50  }
0x5c: {  	[sflag:s18] =	ssyncset.done $0x0  }
0x5d: {  	[sflag:s18] =	ssyncadd.s32 $0xFFFFFFB0  }
0x5e: {  	[tilespmem:s21], [sflag:$0x1] =	stream.indirect.gather [hbm4b:s4+s20], $0x80, s2, s20, $0xb8;
	[tilespmem:$0x19200] =	vst v63  }
0x5f: {  	_ =	swait.ge [sflag:s26], $0x2800  }
0x60: {  	[sflag:s26] =	ssyncset.done $0x0  }
0x61: {  	[sflag:s26] =	ssyncadd.s32 $0xFFFFD800  }
0x62: {  	[spmem:s1] =	stream.indirect.scatter.add.f32 [tilespmem:s24], [sflag:$0x3], $0x80, s23, s20, $0xb8;
	[tilespmem:$0x19200] =	vst v63  }
0x63: {  	_ =	swait.ge [sflag:s18], $0x2800  }
0x64: {  	[sflag:s18] =	ssyncset.done $0x0  }
0x65: {  	s31 =	sadd.s32 s30, s14;
	[sflag:s18] =	ssyncadd.s32 $0xFFFFD800  }
0x66: {  	[tilespmem:s22], [sflag:$0x3] =	stream.linear.gather [hbm4b:s31+s2], $0x50, $0x38;
	[tilespmem:$0x19200] =	vst v63  }
0x67: {  	_ =	swait.ge [sflag:s18], $0x50  }
0x68: {  	[sflag:s18] =	ssyncset.done $0x0  }
.Ltmp0:
0x69: {  	s30 =	sadd.s32 s30, s13;
	[sflag:s18] =	ssyncadd.s32 $0xFFFFFFB0;
	(pc) =	sbr.rel @p0 .LBB2_2-.Ltmp0, $4  }
0x6a: {  	[tilespmem:s23], [sflag:$0x3] =	stream.linear.gather [hbm4b:s30+s2], $0x50, $0x38;
	[tilespmem:$0x19200] =	vst v63  }
0x6b: {  	_ =	swait.ge [sflag:s18], $0x50  }
0x6c: {  	[sflag:s18] =	ssyncset.done $0x0  }
0x6d: {  	[sflag:s18] =	ssyncadd.s32 $0xFFFFFFB0  }
0x6e: {  	[tilespmem:s24], [sflag:$0x2] =	stream.indirect.gather [hbm4b:s4+s20], $0x80, s22, s20, $0xb8;
	[tilespmem:$0x19200] =	vst v63  }
0x6f: {  	_ =	swait.ge [sflag:s25], $0x2800  }
0x70: {  	[sflag:s25] =	ssyncset.done $0x0  }
0x71: {  	[sflag:s25] =	ssyncadd.s32 $0xFFFFD800  }
0x72: {  	[spmem:s1] =	stream.indirect.scatter.add.f32 [tilespmem:s21], [sflag:$0x3], $0x80, s19, s20, $0xb8;
	[tilespmem:$0x19200] =	vst v63  }
0x73: {  	_ =	swait.ge [sflag:s18], $0x2800  }
0x74: {  	[sflag:s18] =	ssyncset.done $0x0  }
0x75: {  	[sflag:s18] =	ssyncadd.s32 $0xFFFFD800  }
0x76: {  	_ =	swait.ge [sflag:s26], $0x2800  }
0x77: {  	[sflag:s26] =	ssyncset.done $0x0  }
0x78: {  	[sflag:s26] =	ssyncadd.s32 $0xFFFFD800  }
0x79: {  	[spmem:s1] =	stream.indirect.scatter.add.f32 [tilespmem:s24], [sflag:$0x3], $0x80, s23, s20, $0xb8;
	[tilespmem:$0x19200] =	vst v63  }
0x7a: {  	_ =	swait.ge [sflag:s18], $0x2800  }
0x7b: {  	s28 =	sadd.s32 $0x1, s28;
	[sflag:s18] =	ssyncset.done $0x0  }
0x7c: {  	p0 =	sne.s32 s28, s12;
	[sflag:s18] =	ssyncadd.s32 $0xFFFFD800  }
.Ltmp1:
0x7d: {  	[bflag:$0x0] =	sbarrier.arrive $0xFFFF;
	(pc) =	sbr.rel @p0 .LBB2_1-.Ltmp1, $4  }
0x7e: {  	[hbm:s11], [sflag:s6] =	dma.local [spmem:s17], $0x2800  }
0x7f: {  	_ =	swait.ge [sflag:s18], $0x2800  }
0x80: {  	[sflag:s18] =	ssyncset.done $0x0  }
0x81: {  	[sflag:s18] =	ssyncadd.s32 $0xFFFFD800  }
0x82: {  	_ =	sfence.sel $0x180000  }
0x83: {  	[bflag:$0x0] =	sbarrier.arrive $0xFFFF  }
0x84: {  	p0 =	sne.s32 s3, $0x0;
	_ =	strace $0x9000004A  }
0x85: {  	s0 =	sadd.s32 @!p0 $0x100000, s0;
	[bflag:$0x2] =	sbarrier.arrive $0xFFFF  }
0x86: {  	[sflag:s0] =	ssyncadd.tile.s32 @!p0 $0x1;
	_ =	shalt  }
.Lfunc_end2:
_tile_overlayer_lowered:
.L_overlay_start_2:
0x87: {  	(tag) =	ssettag $0x2  }
0x88: {  	s0 =	rddreg [dreg:$0x0];
	s2 =	stileid.u32  }
0x89: {  	s1 =	rddreg [dreg:$0x1];
	p0 =	sne.s32 s2, $0x0  }
0x8a: {  	s3 =	rddreg [dreg:$0x2];
	[bflag:$0x3] =	sbarrier.arrive $0xFFFF;
	s2 =	simm.s32 @!p0 $0x1C03  }
0x8b: {  	[timem:s3], [sflag:s2] =	dma.local @!p0 [hbm:s0], s1  }
0x8c: {  	s0 =	simm.s32 @!p0 $0x3  }
0x8d: {  	_ =	swait.ge @!p0 [sflag:s0], s1  }
0x8e: {  	s1 =	ssub.s32 @!p0 $0x0, s1;
	[sflag:s0] =	ssyncset.done @!p0 $0x0  }
0x8f: {  	[sflag:s0] =	ssyncadd.s32 @!p0 s1  }
0x90: {  	[bflag:$0x3] =	sbarrier.arrive $0xFFFF  }
0x91: {  	_ =	shalt  }

// kernel: kernel.17.cloned.1.call-start
scs
__scs_entry_jumppad:
0x0: {  	(pc) =	sbr.rel $0x88, $3  }
0x1: {  	(tag) =	ssettag $0x0;
	lr =	simm.s32 $0x1  }
0x2: {  	[smem:$0x3F99] =	sst lr;
	_ =	strace $0xD0000000  }
0x3: {  	_ = 	snop  }
0x4: {  	_ = 	snop  }
0x5: {  	_ = 	snop  }
0x6: {  	_ = 	snop  }
0x7: {  	_ = 	snop  }
__scs_overlays_trampoline_lowered:
0x8: {  	[smem:$0x3FA8] =	sst s0  }
0x9: {  	[smem:$0x3FA9] =	sst s1  }
0xa: {  	[smem:$0x3FAA] =	sst s2  }
0xb: {  	[smem:$0x3FAB] =	sst s3  }
0xc: {  	[smem:$0x3FAC] =	sst s4  }
0xd: {  	[smem:$0x3FAD] =	sst s5  }
0xe: {  	[smem:$0x3FAE] =	sst s6  }
0xf: {  	[smem:$0x3FAF] =	sst s7  }
0x10: {  	[smem:$0x3FB0] =	sst s8  }
0x11: {  	[smem:$0x3FB1] =	sst s9;
	s0 =	simm.s32 @!p0 $0x0  }
0x12: {  	s1 =	sld [smem:$0x3F97];
	s0 =	simm.s32 @p0 $0x1  }
0x13: {  	[smem:$0x3FB2] =	sst s0;
	s0 =	simm.s32 @!p1 $0x0  }
0x14: {  	s2 =	sld [smem:$0x3F96];
	s0 =	simm.s32 @p1 $0x1  }
0x15: {  	[smem:$0x3FB3] =	sst s0;
	s0 =	simm.s32 @!p2 $0x0  }
0x16: {  	s3 =	sld [smem:$0x3FDB];
	s0 =	simm.s32 @p2 $0x1  }
0x17: {  	s4 =	simm.s32 $0x1BF5;
	[smem:$0x3FB5] =	sst s0  }
0x18: {  	s0 =	sld [smem:$0x3F98];
	_ =	swait.ge [sflag:s4], $0x0  }
0x19: {  	s7 =	sld [smem:$0x3F99]  }
0x1a: {  	s8 =	sadd.s32 $0xFFFFE003, lr  }
0x1b: {  	s9 =	sadd.s32 $0xFFFFFEF7, lr;
	s5 =	simm.s32 $0xFFFFFFFF;
	p2 =	slt.u32 s8, $0xFFFFF086  }
0x1c: {  	p1 =	slt.u32 s9, $0xF7A;
	s5 =	simm.s32 @!p2 $0x0  }
0x1d: {  	s5 =	simm.s32 @p1 $0x1;
	p0 =	seq.s32 s7, s2  }
0x1e: {  	s7 =	smul.u32 @!p0 $0xF7A, s2;
	p2 =	seq.s32 @!p0 s5, $0x0  }
0x1f: {  	s9 =	smul.u32 $0xF7A, s1;
	s8 =	simm.s32 @!p0 $0x1BF5;
	p2 =	por !p2, p0  }
0x20: {  	[sflag:s8] =	ssyncset.s32 @!p0 $0xFFFFF086;
	s6 =	sadd.s32 @!p0 s3, s7;
	s7 =	simm.s32 @!p0 $0x108  }
0x21: {  	s3 =	sadd.s32 s3, s9;
	s6 =	sadd.s32 @!p0 $0x88, s6;
	s7 =	simm.s32 @p2 $0x1082  }
0x22: {  	[simem:s7], [sflag:s8] =	dma.local @!p0 [hbm:s6], $0xF7A  }
0x23: {  	s9 =	sor.u32 $0xD0000000, s2;
	s6 =	simm.s32 $0x108;
	_ =	swait.ge @!p0 [sflag:s8], $0x0  }
0x24: {  	s3 =	sadd.s32 $0x88, s3;
	s6 =	simm.s32 @!p1 $0x1082;
	[sflag:s4] =	ssyncset.s32 $0xFFFFF086  }
0x25: {  	[simem:s6], [sflag:s4] =	dma.local [hbm:s3], $0xF7A  }
0x26: {  	[smem:$0x3F99] =	sst s1;
	(tag) =	ssettag s2;
	_ =	strace s9  }
0x27: {  	s1 =	sld [smem:$0x3FA9]  }
0x28: {  	s2 =	sld [smem:$0x3FAA]  }
0x29: {  	s4 =	sld [smem:$0x3FAC]  }
0x2a: {  	p0 =	seq.s32 s5, $0x0;
	s5 =	sld [smem:$0x3FAD]  }
0x2b: {  	s6 =	sld [smem:$0x3FAE]  }
0x2c: {  	s7 =	sld [smem:$0x3FAF]  }
0x2d: {  	s3 =	simm.s32 $0x108;
	s8 =	sld [smem:$0x3FB0]  }
0x2e: {  	s3 =	simm.s32 @!p0 $0x1082;
	s9 =	sld [smem:$0x3FB1]  }
0x2f: {  	lr =	sadd.s32 s0, s3;
	s0 =	sld [smem:$0x3FA8]  }
0x30: {  	s3 =	sld [smem:$0x3FAB]  }
0x31: {  	[smem:$0x3FB4] =	sst s10  }
0x32: {  	s10 =	sld [smem:$0x3FB2];
	_ =	sdelay $0x3  }
0x33: {  	p0 =	seq.s32 s10, $0x1;
	s10 =	sld [smem:$0x3FB4];
	_ =	sdelay $0x3  }
0x34: {  	[smem:$0x3FB4] =	sst s10  }
0x35: {  	s10 =	sld [smem:$0x3FB3];
	_ =	sdelay $0x3  }
0x36: {  	p1 =	seq.s32 s10, $0x1;
	s10 =	sld [smem:$0x3FB4];
	_ =	sdelay $0x3  }
0x37: {  	[smem:$0x3FB4] =	sst s10  }
0x38: {  	s10 =	sld [smem:$0x3FB5]  }
0x39: {  	_ = 	snop;
	(pc) =	sbr.ind lr, $3  }
0x3a: {  	_ = 	snop  }
0x3b: {  	_ = 	snop  }
0x3c: {  	p2 =	seq.s32 s10, $0x1;
	s10 =	sld [smem:$0x3FB4]  }
0x3d: {  	_ =	shalt  }
0x3e: {  	_ =	shalt  }
0x3f: {  	_ =	shalt  }
0x40: {  	_ =	shalt  }
0x41: {  	_ =	shalt  }
0x42: {  	_ =	shalt  }
0x43: {  	_ =	shalt  }
0x44: {  	_ =	shalt  }
0x45: {  	_ =	shalt  }
0x46: {  	_ =	shalt  }
0x47: {  	_ =	shalt  }
0x48: {  	_ =	shalt  }
0x49: {  	_ =	shalt  }
0x4a: {  	_ =	shalt  }
0x4b: {  	_ =	shalt  }
0x4c: {  	_ =	shalt  }
0x4d: {  	_ =	shalt  }
0x4e: {  	_ =	shalt  }
0x4f: {  	_ =	shalt  }
0x50: {  	_ =	shalt  }
0x51: {  	_ =	shalt  }
0x52: {  	_ =	shalt  }
0x53: {  	_ =	shalt  }
0x54: {  	_ =	shalt  }
0x55: {  	_ =	shalt  }
0x56: {  	_ =	shalt  }
0x57: {  	_ =	shalt  }
0x58: {  	_ =	shalt  }
0x59: {  	_ =	shalt  }
0x5a: {  	_ =	shalt  }
0x5b: {  	_ =	shalt  }
0x5c: {  	_ =	shalt  }
0x5d: {  	_ =	shalt  }
0x5e: {  	_ =	shalt  }
0x5f: {  	_ =	shalt  }
0x60: {  	_ =	shalt  }
0x61: {  	_ =	shalt  }
0x62: {  	_ =	shalt  }
0x63: {  	_ =	shalt  }
0x64: {  	_ =	shalt  }
0x65: {  	_ =	shalt  }
0x66: {  	_ =	shalt  }
0x67: {  	_ =	shalt  }
0x68: {  	_ =	shalt  }
0x69: {  	_ =	shalt  }
0x6a: {  	_ =	shalt  }
0x6b: {  	_ =	shalt  }
0x6c: {  	_ =	shalt  }
0x6d: {  	_ =	shalt  }
0x6e: {  	_ =	shalt  }
0x6f: {  	_ =	shalt  }
0x70: {  	_ =	shalt  }
0x71: {  	_ =	shalt  }
0x72: {  	_ =	shalt  }
0x73: {  	_ =	shalt  }
0x74: {  	_ =	shalt  }
0x75: {  	_ =	shalt  }
0x76: {  	_ =	shalt  }
0x77: {  	_ =	shalt  }
0x78: {  	_ =	shalt  }
0x79: {  	_ =	shalt  }
0x7a: {  	_ =	shalt  }
0x7b: {  	_ =	shalt  }
0x7c: {  	_ =	shalt  }
0x7d: {  	_ =	shalt  }
0x7e: {  	_ =	shalt  }
0x7f: {  	_ =	shalt  }
0x80: {  	_ =	shalt  }
0x81: {  	_ =	shalt  }
0x82: {  	_ =	shalt  }
0x83: {  	_ =	shalt  }
0x84: {  	_ =	shalt  }
0x85: {  	_ =	shalt  }
0x86: {  	_ =	shalt  }
0x87: {  	_ =	shalt  }
.Lfunc_end0:
.L_simem_size_0:
called_computation.2_lowered:
.L_overlay_start_0:
0x88: {  	s2 =	sld [smem:$0x3FD9]  }
0x89: {  	s3 =	sld [smem:$0x3FFE];
	_ =	sdelay $0x1  }
0x8a: {  	s1 =	srdreg.scid  }
0x8b: {  	s0 =	sand.u32 $0x1, s1  }
0x8c: {  	s17 =	sshll.u32 s0, $0xA;
	s2 =	sadd.s32 s3, s2  }
0x8d: {  	s2 =	sadd.s32 s2, s17  }
0x8e: {  	[smem:$0x3FC0] =	sst s2  }
0x8f: {  	_ = 	snop  }
0x90: {  	s2 =	sld [smem:$0x3FD0];
	(tm) =	ssettm $0x1  }
0x91: {  	s18 =	sld [smem:$0x3FFB];
	_ =	sdelay $0x3  }
0x92: {  	_ =	strace s18  }
0x93: {  	s3 =	sld [smem:$0x3FFC];
	_ =	sdelay $0x3  }
0x94: {  	_ =	strace s3  }
0x95: {  	s3 =	sld [smem:$0x3FFD];
	_ =	sdelay $0x3  }
0x96: {  	_ =	strace s3  }
0x97: {  	_ =	strace $0x8FFFFFFF  }
0x98: {  	s19 =	sld [smem:$0x3FDB];
	_ =	sdelay $0x1  }
0x99: {  	s4 =	simm.s32 $_scs_section_size  }
0x9a: {  	s5 =	simm.s32 $_size__tile_overlayer_lowered;
	s6 =	simm.s32 $_tile_overlayer_lowered  }
0x9b: {  	s22 =	simm.s32 $0x1BFF;
	s21 =	sshll.u32 s6, $0x1;
	s3 =	sadd.s32 s4, s19  }
0x9c: {  	s7 =	simm.s32 $0x0;
	s20 =	sshll.u32 s5, $0x1;
	s5 =	sadd.s32 s21, s3  }
0x9d: {  	[timem:s7], [sflag:s22] =	dma.local [hbm:s5], s20  }
0x9e: {  	_ =	swait.ge [sflag:s22], s20  }
0x9f: {  	s4 =	ssub.s32 $0x0, s20;
	[sflag:s22] =	ssyncset.done $0x0  }
0xa0: {  	[sflag:s22] =	ssyncadd.s32 s4;
	_ =	sdelay $0x1  }
0xa1: {  	s23 =	simm.s32 $0x1B8B  }
0xa2: {  	_ =	swait.ge [sflag:s23], $0x1  }
0xa3: {  	[sflag:s23] =	ssyncset.done $0x0  }
0xa4: {  	s25 =	simm.s32 $0x1B8E;
	s24 =	sld [smem:$0x3FFE];
	[sflag:s23] =	ssyncadd.s32 $0xFFFFFFFF  }
0xa5: {  	s26 =	simm.s32 $execute0_lowered;
	[smem:$0x3FD2] =	sst s25  }
0xa6: {  	s5 =	sshll.u32 s26, $0x1;
	_ =	strace $0x8000004C;
	[dreg:$0x1] =	wrdreg $0xFFFFFFFF  }
0xa7: {  	s28 =	simm.s32 $_size_execute0_lowered;
	s3 =	sadd.s32 s3, s5;
	[dreg:$0x0] =	wrdreg $0x0  }
0xa8: {  	s5 =	sshll.u32 s28, $0x1;
	[dreg:$0x2] =	wrdreg s3  }
0xa9: {  	[dreg:$0x3] =	wrdreg s5  }
0xaa: {  	[dreg:$0x4] =	wrdreg $0xC0  }
0xab: {  	_ =	task [dreg:s7], $0x5FFFF  }
0xac: {  	[dreg:$0x1] =	wrdreg $0xFFFFFFFF  }
0xad: {  	[dreg:$0x0] =	wrdreg $0x60  }
0xae: {  	[dreg:$0x2] =	wrdreg s2  }
0xaf: {  	[dreg:$0x3] =	wrdreg s24  }
0xb0: {  	[dreg:$0x4] =	wrdreg $0x52000  }
0xb1: {  	[dreg:$0x5] =	wrdreg $0x9  }
0xb2: {  	_ =	task.clear_ibuf [dreg:s7], $0x6FFFF;
	_ =	strace $0x9000004C  }
0xb3: {  	s29 =	simm.s32 $0x9;
	_ =	strace $0x8000004E  }
0xb4: {  	_ =	swait.ge [sflag:s29], $0x1  }
0xb5: {  	[sflag:s29] =	ssyncadd.s32 $0xFFFFFFFF  }
0xb6: {  	_ =	strace $0x9000004E  }
0xb7: {  	_ =	sfence  }
0xb8: {  	s30 =	sld [smem:$0x0];
	_ =	sdelay $0x2  }
0xb9: {  	s31 =	sshll.u32 s1, $0xD;
	s1 =	sshrl.u32 s1, $0x2  }
0xba: {  	s3 =	sand.u32 $0x4000, s31;
	s1 =	sadd.s32 s1, s30  }
0xbb: {  	s0 =	sor.u32 s3, s0;
	s1 =	sshll.u32 s1, $0x11  }
0xbc: {  	s0 =	sor.u32 s1, s0  }
0xbd: {  	s0 =	sadd.s32 $0x8F2B, s0  }
0xbe: {  	[sflag:s0] =	ssyncadd.remote.s32 $0x1  }
0xbf: {  	_ =	sfence.sel $0xFFFF  }
0xc0: {  	[dreg:$0x0] =	wrdreg $0xFFFFFFFF;
	(pc) =	sbr.abs _section_cstart, $3  }
0xc1: {  	[dreg:$0x1] =	wrdreg $0xFFFFFFFF  }
0xc2: {  	_ =	task.clear_ibuf [dreg:s7], $0x2FFFF;
	_ =	strace $0x9FFFFFFF  }
0xc3: {  	(tm) =	ssettm $0x7FFFFFFF  }
tec
execute0_lowered:
.L_overlay_start_1:
0x0: {  	(tag) =	ssettag $0x1  }
0x1: {  	s1 =	rddreg [dreg:$0x0]  }
0x2: {  	s6 =	rddreg [dreg:$0x1]  }
0x3: {  	s3 =	rddreg [dreg:$0x2]  }
0x4: {  	s0 =	rddreg [dreg:$0x3]  }
0x5: {  	s5 =	srdreg.scid;
	s2 =	stileid.u32;
	s4 =	simm.s32 $0x0  }
0x6: {  	s20 =	simm.s32 $0x50;
	s21 =	simm.s32 $0x200;
	s28 =	simm.s32 $0x0  }
0x7: {  	s7 =	sand.u32 $0x1, s5;
	s8 =	smul.u32 $0x2800, s2;
	[smem:$0x7FF] =	sst s4  }
0x8: {  	s16 =	sadd.s32 $0xB5000, s6;
	s15 =	sadd.s32 $0x3200, s6;
	s10 =	smul.u32 $0x50000, s2  }
0x9: {  	s5 =	sadd.s32 $0x8200, s6;
	s26 =	sshll.u32 s2, $0x6;
	s14 =	smul.u32 $0x1400, s2  }
0xa: {  	s9 =	smul.u32 $0x28000, s7;
	_ =	strace $0x8000004D;
	s22 =	ssub.s32 $0x2, s7  }
0xb: {  	s11 =	sshll.u32 s7, $0x4;
	s29 =	smul.u32 $0x14000, s7;
	s23 =	sshrl.u32 s22, $0x1  }
0xc: {  	s24 =	sor.u32 s2, s11;
	s25 =	sshrl.u32 s10, $0x2;
	s8 =	sadd.s32 s8, s9  }
0xd: {  	s13 =	ssub.s32 s22, s23;
	s17 =	sadd.s32 s25, s3;
	s14 =	sadd.s32 s14, s29  }
0xe: {  	s22 =	simm.s32 $0x80;
	s23 =	simm.s32 $0x180;
	s25 =	simm.s32 $0x1  }
0xf: {  	s12 =	sadd.s32 s8, s6;
	s8 =	smul.u32 $0x1400, s24;
	s6 =	sor.u32 $0x1C03, s26  }
0x10: {  	s18 =	sor.u32 $0xF0, s14;
	s14 =	sor.u32 $0xA0, s14;
	s17 =	sshrl.u32 s17, $0x3  }
0x11: {  	s24 =	simm.s32 $0x2A00;
	s26 =	simm.s32 $0x2;
	s11 =	sadd.s32 $0xAA00, s12  }
0x12: {  	s12 =	smax.u32 s13, $0x1;
	s18 =	sshrl.u32 s18, $0x3;
	s19 =	sshrl.u32 s14, $0x3  }
0x13: {  	s30 =	sshrl.u32 s8, $0x3;
	s13 =	sadd.s32 s18, s15;
	s14 =	sadd.s32 s18, s16  }
0x14: {  	s18 =	simm.s32 $0x3;
	s7 =	sadd.s32 s16, s30;
	s31 =	sor.u32 $0xA, s30  }
0x15: {  	s8 =	sadd.s32 s15, s30;
	s9 =	sadd.s32 s16, s31;
	s10 =	sadd.s32 s15, s31  }
0x16: {  	s15 =	sadd.s32 s19, s15;
	s16 =	sadd.s32 s19, s16;
	s19 =	simm.s32 $0x100  }
.LBB2_1:
0x17: {  	[spmem:s17], [sflag:s6] =	dma.local [hbm:s5], $0x2800  }
0x18: {  	_ =	swait.ge [sflag:s18], $0x2800  }
0x19: {  	[sflag:s18] =	ssyncset.done $0x0  }
0x1a: {  	[sflag:s18] =	ssyncadd.s32 $0xFFFFD800  }
0x1b: {  	[bflag:$0x0] =	sbarrier.arrive $0xFFFF  }
0x1c: {  	[tilespmem:s4], [sflag:$0x3] =	stream.linear.gather [hbm4b:s7+s4], $0x50, $0x38;
	[tilespmem:$0x19200] =	vst v63  }
0x1d: {  	_ =	swait.ge [sflag:s18], $0x50  }
0x1e: {  	[sflag:s18] =	ssyncset.done $0x0  }
0x1f: {  	[sflag:s18] =	ssyncadd.s32 $0xFFFFFFB0  }
0x20: {  	[tilespmem:s19], [sflag:$0x3] =	stream.linear.gather [hbm4b:s8+s4], $0x50, $0x38;
	[tilespmem:$0x19200] =	vst v63  }
0x21: {  	_ =	swait.ge [sflag:s18], $0x50  }
0x22: {  	[sflag:s18] =	ssyncset.done $0x0  }
0x23: {  	[sflag:s18] =	ssyncadd.s32 $0xFFFFFFB0  }
0x24: {  	[tilespmem:s21], [sflag:$0x1] =	stream.indirect.gather [hbm4b:s1+s20], $0x80, s4, s20, $0xb8;
	[tilespmem:$0x19200] =	vst v63  }
0x25: {  	_ = 	snop  }
0x26: {  	[tilespmem:s22], [sflag:$0x3] =	stream.linear.gather [hbm4b:s9+s4], $0x50, $0x38;
	[tilespmem:$0x19200] =	vst v63  }
0x27: {  	_ =	swait.ge [sflag:s18], $0x50  }
0x28: {  	[sflag:s18] =	ssyncset.done $0x0  }
0x29: {  	[sflag:s18] =	ssyncadd.s32 $0xFFFFFFB0  }
0x2a: {  	[tilespmem:s23], [sflag:$0x3] =	stream.linear.gather [hbm4b:s10+s4], $0x50, $0x38;
	[tilespmem:$0x19200] =	vst v63  }
0x2b: {  	_ =	swait.ge [sflag:s18], $0x50  }
0x2c: {  	[sflag:s18] =	ssyncset.done $0x0  }
0x2d: {  	[sflag:s18] =	ssyncadd.s32 $0xFFFFFFB0  }
0x2e: {  	[tilespmem:s24], [sflag:$0x2] =	stream.indirect.gather [hbm4b:s1+s20], $0x80, s22, s20, $0xb8;
	[tilespmem:$0x19200] =	vst v63  }
0x2f: {  	_ =	swait.ge [sflag:s25], $0x2800  }
0x30: {  	[sflag:s25] =	ssyncset.done $0x0  }
0x31: {  	[sflag:s25] =	ssyncadd.s32 $0xFFFFD800  }
0x32: {  	[spmem:s3] =	stream.indirect.scatter.add.f32 [tilespmem:s21], [sflag:$0x3], $0x80, s19, s20, $0xb8;
	[tilespmem:$0x19200] =	vst v63  }
0x33: {  	_ =	swait.ge [sflag:s18], $0x2800  }
0x34: {  	[sflag:s18] =	ssyncset.done $0x0  }
0x35: {  	s29 =	sadd.s32 $0x0, s16;
	[sflag:s18] =	ssyncadd.s32 $0xFFFFD800  }
0x36: {  	[tilespmem:s4], [sflag:$0x3] =	stream.linear.gather [hbm4b:s29+s4], $0x50, $0x38;
	[tilespmem:$0x19200] =	vst v63  }
0x37: {  	_ =	swait.ge [sflag:s18], $0x50  }
0x38: {  	[sflag:s18] =	ssyncset.done $0x0  }
0x39: {  	s29 =	sadd.s32 $0x0, s15;
	[sflag:s18] =	ssyncadd.s32 $0xFFFFFFB0  }
0x3a: {  	[tilespmem:s19], [sflag:$0x3] =	stream.linear.gather [hbm4b:s29+s4], $0x50, $0x38;
	[tilespmem:$0x19200] =	vst v63  }
0x3b: {  	_ =	swait.ge [sflag:s18], $0x50  }
0x3c: {  	[sflag:s18] =	ssyncset.done $0x0  }
0x3d: {  	[sflag:s18] =	ssyncadd.s32 $0xFFFFFFB0  }
0x3e: {  	[tilespmem:s21], [sflag:$0x1] =	stream.indirect.gather [hbm4b:s1+s20], $0x80, s4, s20, $0xb8;
	[tilespmem:$0x19200] =	vst v63  }
0x3f: {  	_ =	swait.ge [sflag:s26], $0x2800  }
0x40: {  	[sflag:s26] =	ssyncset.done $0x0  }
0x41: {  	[sflag:s26] =	ssyncadd.s32 $0xFFFFD800  }
0x42: {  	[spmem:s3] =	stream.indirect.scatter.add.f32 [tilespmem:s24], [sflag:$0x3], $0x80, s23, s20, $0xb8;
	[tilespmem:$0x19200] =	vst v63  }
0x43: {  	_ =	swait.ge [sflag:s18], $0x2800  }
0x44: {  	[sflag:s18] =	ssyncset.done $0x0  }
0x45: {  	s29 =	sadd.s32 $0x0, s14;
	[sflag:s18] =	ssyncadd.s32 $0xFFFFD800  }
0x46: {  	[tilespmem:s22], [sflag:$0x3] =	stream.linear.gather [hbm4b:s29+s4], $0x50, $0x38;
	[tilespmem:$0x19200] =	vst v63  }
0x47: {  	_ =	swait.ge [sflag:s18], $0x50  }
0x48: {  	[sflag:s18] =	ssyncset.done $0x0  }
0x49: {  	s29 =	sadd.s32 $0x0, s13;
	[sflag:s18] =	ssyncadd.s32 $0xFFFFFFB0  }
0x4a: {  	[tilespmem:s23], [sflag:$0x3] =	stream.linear.gather [hbm4b:s29+s4], $0x50, $0x38;
	[tilespmem:$0x19200] =	vst v63  }
0x4b: {  	_ =	swait.ge [sflag:s18], $0x50  }
0x4c: {  	[sflag:s18] =	ssyncset.done $0x0  }
0x4d: {  	s29 =	simm.s32 $0x14;
	[sflag:s18] =	ssyncadd.s32 $0xFFFFFFB0  }
.LBB2_2:
0x4e: {  	[tilespmem:s24], [sflag:$0x2] =	stream.indirect.gather [hbm4b:s1+s20], $0x80, s22, s20, $0xb8;
	[tilespmem:$0x19200] =	vst v63  }
0x4f: {  	s30 =	smov.u32 s29  }
0x50: {  	p0 =	sne.s32 s29, $0x258;
	s29 =	sadd.s32 $0x14, s29;
	_ =	swait.ge [sflag:s25], $0x2800  }
0x51: {  	[sflag:s25] =	ssyncset.done $0x0  }
0x52: {  	[sflag:s25] =	ssyncadd.s32 $0xFFFFD800  }
0x53: {  	[spmem:s3] =	stream.indirect.scatter.add.f32 [tilespmem:s21], [sflag:$0x3], $0x80, s19, s20, $0xb8;
	[tilespmem:$0x19200] =	vst v63  }
0x54: {  	_ =	swait.ge [sflag:s18], $0x2800  }
0x55: {  	[sflag:s18] =	ssyncset.done $0x0  }
0x56: {  	s31 =	sadd.s32 s30, s16;
	[sflag:s18] =	ssyncadd.s32 $0xFFFFD800  }
0x57: {  	[tilespmem:s4], [sflag:$0x3] =	stream.linear.gather [hbm4b:s31+s4], $0x50, $0x38;
	[tilespmem:$0x19200] =	vst v63  }
0x58: {  	_ =	swait.ge [sflag:s18], $0x50  }
0x59: {  	[sflag:s18] =	ssyncset.done $0x0  }
0x5a: {  	s31 =	sadd.s32 s30, s15;
	[sflag:s18] =	ssyncadd.s32 $0xFFFFFFB0  }
0x5b: {  	[tilespmem:s19], [sflag:$0x3] =	stream.linear.gather [hbm4b:s31+s4], $0x50, $0x38;
	[tilespmem:$0x19200] =	vst v63  }
0x5c: {  	_ =	swait.ge [sflag:s18], $0x50  }
0x5d: {  	[sflag:s18] =	ssyncset.done $0x0  }
0x5e: {  	[sflag:s18] =	ssyncadd.s32 $0xFFFFFFB0  }
0x5f: {  	[tilespmem:s21], [sflag:$0x1] =	stream.indirect.gather [hbm4b:s1+s20], $0x80, s4, s20, $0xb8;
	[tilespmem:$0x19200] =	vst v63  }
0x60: {  	_ =	swait.ge [sflag:s26], $0x2800  }
0x61: {  	[sflag:s26] =	ssyncset.done $0x0  }
0x62: {  	[sflag:s26] =	ssyncadd.s32 $0xFFFFD800  }
0x63: {  	[spmem:s3] =	stream.indirect.scatter.add.f32 [tilespmem:s24], [sflag:$0x3], $0x80, s23, s20, $0xb8;
	[tilespmem:$0x19200] =	vst v63  }
0x64: {  	_ =	swait.ge [sflag:s18], $0x2800  }
0x65: {  	[sflag:s18] =	ssyncset.done $0x0  }
0x66: {  	s31 =	sadd.s32 s30, s14;
	[sflag:s18] =	ssyncadd.s32 $0xFFFFD800  }
0x67: {  	[tilespmem:s22], [sflag:$0x3] =	stream.linear.gather [hbm4b:s31+s4], $0x50, $0x38;
	[tilespmem:$0x19200] =	vst v63  }
0x68: {  	_ =	swait.ge [sflag:s18], $0x50  }
0x69: {  	[sflag:s18] =	ssyncset.done $0x0  }
.Ltmp0:
0x6a: {  	s30 =	sadd.s32 s30, s13;
	[sflag:s18] =	ssyncadd.s32 $0xFFFFFFB0;
	(pc) =	sbr.rel @p0 .LBB2_2-.Ltmp0, $4  }
0x6b: {  	[tilespmem:s23], [sflag:$0x3] =	stream.linear.gather [hbm4b:s30+s4], $0x50, $0x38;
	[tilespmem:$0x19200] =	vst v63  }
0x6c: {  	_ =	swait.ge [sflag:s18], $0x50  }
0x6d: {  	[sflag:s18] =	ssyncset.done $0x0  }
0x6e: {  	[sflag:s18] =	ssyncadd.s32 $0xFFFFFFB0  }
0x6f: {  	[tilespmem:s24], [sflag:$0x2] =	stream.indirect.gather [hbm4b:s1+s20], $0x80, s22, s20, $0xb8;
	[tilespmem:$0x19200] =	vst v63  }
0x70: {  	_ =	swait.ge [sflag:s25], $0x2800  }
0x71: {  	[sflag:s25] =	ssyncset.done $0x0  }
0x72: {  	[sflag:s25] =	ssyncadd.s32 $0xFFFFD800  }
0x73: {  	[spmem:s3] =	stream.indirect.scatter.add.f32 [tilespmem:s21], [sflag:$0x3], $0x80, s19, s20, $0xb8;
	[tilespmem:$0x19200] =	vst v63  }
0x74: {  	_ =	swait.ge [sflag:s18], $0x2800  }
0x75: {  	[sflag:s18] =	ssyncset.done $0x0  }
0x76: {  	[sflag:s18] =	ssyncadd.s32 $0xFFFFD800  }
0x77: {  	_ =	swait.ge [sflag:s26], $0x2800  }
0x78: {  	[sflag:s26] =	ssyncset.done $0x0  }
0x79: {  	[sflag:s26] =	ssyncadd.s32 $0xFFFFD800  }
0x7a: {  	[spmem:s3] =	stream.indirect.scatter.add.f32 [tilespmem:s24], [sflag:$0x3], $0x80, s23, s20, $0xb8;
	[tilespmem:$0x19200] =	vst v63  }
0x7b: {  	_ =	swait.ge [sflag:s18], $0x2800  }
0x7c: {  	s28 =	sadd.s32 $0x1, s28;
	[sflag:s18] =	ssyncset.done $0x0  }
0x7d: {  	p0 =	sne.s32 s28, s12;
	[sflag:s18] =	ssyncadd.s32 $0xFFFFD800  }
.Ltmp1:
0x7e: {  	[bflag:$0x0] =	sbarrier.arrive $0xFFFF;
	(pc) =	sbr.rel @p0 .LBB2_1-.Ltmp1, $4  }
0x7f: {  	[hbm:s11], [sflag:s6] =	dma.local [spmem:s17], $0x2800  }
0x80: {  	_ =	swait.ge [sflag:s18], $0x2800  }
0x81: {  	[sflag:s18] =	ssyncset.done $0x0  }
0x82: {  	[sflag:s18] =	ssyncadd.s32 $0xFFFFD800  }
0x83: {  	_ =	sfence.sel $0x180000  }
0x84: {  	[bflag:$0x0] =	sbarrier.arrive $0xFFFF  }
0x85: {  	p0 =	sne.s32 s2, $0x0;
	_ =	strace $0x9000004D  }
0x86: {  	s0 =	sadd.s32 @!p0 $0x100000, s0;
	[bflag:$0x2] =	sbarrier.arrive $0xFFFF  }
0x87: {  	[sflag:s0] =	ssyncadd.tile.s32 @!p0 $0x1;
	_ =	shalt  }
.Lfunc_end2:
_tile_overlayer_lowered:
.L_overlay_start_2:
0x88: {  	(tag) =	ssettag $0x2  }
0x89: {  	s0 =	rddreg [dreg:$0x0];
	s2 =	stileid.u32  }
0x8a: {  	s1 =	rddreg [dreg:$0x1];
	p0 =	sne.s32 s2, $0x0  }
0x8b: {  	s3 =	rddreg [dreg:$0x2];
	[bflag:$0x3] =	sbarrier.arrive $0xFFFF;
	s2 =	simm.s32 @!p0 $0x1C03  }
0x8c: {  	[timem:s3], [sflag:s2] =	dma.local @!p0 [hbm:s0], s1  }
0x8d: {  	s0 =	simm.s32 @!p0 $0x3  }
0x8e: {  	_ =	swait.ge @!p0 [sflag:s0], s1  }
0x8f: {  	s1 =	ssub.s32 @!p0 $0x0, s1;
	[sflag:s0] =	ssyncset.done @!p0 $0x0  }
0x90: {  	[sflag:s0] =	ssyncadd.s32 @!p0 s1  }
0x91: {  	[bflag:$0x3] =	sbarrier.arrive $0xFFFF  }
0x92: {  	_ =	shalt  }

</sc_bundles>
